<compile_context>
chip_gen: v7x
topology: tpu7x:2x2x1
jax: 0.10.2.dev20260603
libtpu: 0.0.44.dev20260713+nightly
codegen_flags: <defaults>
</compile_context>

<pallas_src>
import functools

import jax
import jax.numpy as jnp
from jax import lax
from jax.experimental import pallas as pl
from jax.experimental.pallas import tpu as pltpu
from jax.experimental.pallas import tpu_sc as plsc

_NC = 2
_NS = 16
_NW = _NC * _NS

_CH = 128
_SPAN = 80
_DPH = 40


def _sc_aggregate(x, src2, dst2, zeros, nchunk):
    n, d = x.shape
    rows_a = (n // _NS) // 8 * 8
    rows_last = n - rows_a * (_NS - 1)

    mesh = plsc.VectorSubcoreMesh(core_axis_name="c", subcore_axis_name="s")

    @functools.partial(
        pl.kernel,
        out_type=jax.ShapeDtypeStruct((_NC, n, d), jnp.float32),
        mesh=mesh,
        scratch_types=[
            pltpu.VMEM((_SPAN, _CH), jnp.int32),
            pltpu.VMEM((_DPH, _CH), jnp.int32),
            pltpu.VMEM((2, _CH, d), jnp.float32),
            pltpu.VMEM_SHARED((n, d), jnp.float32),
            pltpu.SemaphoreType.DMA,
            pltpu.SemaphoreType.DMA,
        ],
    )
    def agg(x_hbm, src_hbm, dst_hbm, z_hbm, out_hbm,
            sidx, didx, rows, acc_sh, gsem, ssem):
        c = lax.axis_index("c")
        s = lax.axis_index("s")
        w = s * _NC + c
        base = w * _SPAN
        cnt = jnp.clip(nchunk - base, 0, _SPAN)
        @pl.when(s < _NS - 1)
        def _():
            pltpu.sync_copy(z_hbm.at[pl.ds(0, rows_a)],
                            acc_sh.at[pl.ds(s * rows_a, rows_a)])

        @pl.when(s == _NS - 1)
        def _():
            pltpu.sync_copy(z_hbm, acc_sh.at[pl.ds((_NS - 1) * rows_a, rows_last)])

        pltpu.sync_copy(src_hbm.at[pl.ds(base, _SPAN)], sidx)
        pltpu.sync_copy(dst_hbm.at[pl.ds(base, _DPH)], didx)
        plsc.subcore_barrier()

        def gather(k, buf):
            pltpu.async_copy(x_hbm.at[sidx.at[k]], rows.at[buf], gsem)

        def gather_wait(k, buf):
            pltpu.make_async_copy(x_hbm.at[sidx.at[k]], rows.at[buf], gsem).wait()

        def scatter_wait():
            pltpu.make_async_copy(rows.at[0], acc_sh.at[didx.at[0]], ssem).wait()

        def make_pair(off, k_start):
            def pair(k2, carry):
                for b in range(2):
                    k = k2 * 2 + b
                    nxt = k + 1

                    @pl.when((k > k_start) & (k - 1 < cnt))
                    def _():
                        scatter_wait()

                    @pl.when(nxt < cnt)
                    def _():
                        gather(nxt, 1 - b)

                    @pl.when(k < cnt)
                    def _():
                        gather_wait(k, b)
                        pltpu.async_copy(rows.at[b], acc_sh.at[didx.at[k - off]],
                                         ssem, add=True)

                return carry

            return pair

        gather(0, 0)
        lax.fori_loop(0, _DPH // 2, make_pair(0, 0), 0)
        @pl.when(cnt >= _DPH)
        def _():
            scatter_wait()

        pltpu.sync_copy(dst_hbm.at[pl.ds(base + _DPH, _DPH)], didx)
        lax.fori_loop(_DPH // 2, _SPAN // 2 + 2, make_pair(_DPH, _DPH), 0)
        plsc.subcore_barrier()

        @pl.when(s < _NS - 1)
        def _():
            pltpu.sync_copy(acc_sh.at[pl.ds(s * rows_a, rows_a)],
                            out_hbm.at[c, pl.ds(s * rows_a, rows_a)])

        @pl.when(s == _NS - 1)
        def _():
            pltpu.sync_copy(acc_sh.at[pl.ds((_NS - 1) * rows_a, rows_last)],
                            out_hbm.at[c, pl.ds((_NS - 1) * rows_a, rows_last)])

    return agg(x, src2, dst2, zeros)


def _tc_tail(partials, x, w_rel, w_root, b_rel):
    n, d = x.shape
    bn = 2000
    grid = (n // bn,)

    def body(p_ref, x_ref, wr_ref, wt_ref, b_ref, o_ref):
        aggr = p_ref[0] + p_ref[1]
        acc = lax.dot_general(aggr, wr_ref[...], (((1,), (1,)), ((), ())),
                              preferred_element_type=jnp.float32)
        acc += lax.dot_general(x_ref[...], wt_ref[...], (((1,), (1,)), ((), ())),
                               preferred_element_type=jnp.float32)
        o_ref[...] = jnp.maximum(acc + b_ref[...], 0.0)

    return pl.pallas_call(
        body,
        grid=grid,
        in_specs=[
            pl.BlockSpec((_NC, bn, d), lambda i: (0, i, 0)),
            pl.BlockSpec((bn, d), lambda i: (i, 0)),
            pl.BlockSpec((d, d), lambda i: (0, 0)),
            pl.BlockSpec((d, d), lambda i: (0, 0)),
            pl.BlockSpec((1, d), lambda i: (0, 0)),
        ],
        out_specs=pl.BlockSpec((bn, d), lambda i: (i, 0)),
        out_shape=jax.ShapeDtypeStruct((n, d), jnp.float32),
    )(partials, x, w_rel, w_root, b_rel)


def kernel(x, edge_index, W_rel, b_rel, W_root):
    n, d = x.shape
    e = edge_index.shape[1]
    nchunk = e // _CH
    pad = _NW * _SPAN * _CH - e
    ei = jnp.concatenate(
        [edge_index, jnp.zeros((2, pad), jnp.int32)], axis=1
    ).reshape(2, _NW * _SPAN, _CH)
    rows_last = n - (n // _NS) // 8 * 8 * (_NS - 1)
    zeros = jnp.zeros((rows_last, d), jnp.float32)
    partials = _sc_aggregate(x, ei[0], ei[1], zeros, nchunk)
    return _tc_tail(partials, x, W_rel, W_root, b_rel.reshape(1, d))

# --- scband reference (transcript-rebuilt; emitter-appended) ---
"""Pipeline reference for scband-graph-conv-layer-55783035240593 (READ-ONLY COPY).

The authoritative reference and input builder live on the scoring server;
editing this copy changes nothing except your own understanding.
"""

import jax, jax.numpy as jnp
import numpy as np

N = 10000
E = 320000
D_IN = 128
D_OUT = 128


def setup_inputs(seed: int = 0) -> dict:
    key = jax.random.key(seed)
    k1, k2, k3, k4 = jax.random.split(key, 4)
    x = jax.random.normal(k1, (N, D_IN), dtype=jnp.float32)
    edge_index = jax.random.randint(k2, (2, E), 0, N, dtype=jnp.int32)
    # PyG GraphConv parameters: lin_rel (weight + bias) applied to aggregated
    # neighbor features, lin_root (weight only) applied to root features.
    W_rel = jax.random.normal(k3, (D_OUT, D_IN), dtype=jnp.float32) * 0.05
    b_rel = jnp.zeros((D_OUT,), dtype=jnp.float32)
    W_root = jax.random.normal(k4, (D_OUT, D_IN), dtype=jnp.float32) * 0.05
    return {"x": x, "edge_index": edge_index, "W_rel": W_rel, "b_rel": b_rel, "W_root": W_root}


def reference(x, edge_index, W_rel, b_rel, W_root):
    # GraphConv (aggr='add'): out_i = W_root @ x_i + W_rel @ (sum_{j->i} x_j) + b
    src = edge_index[0]
    dst = edge_index[1]
    msgs = jnp.take(x, src, axis=0)                      # gather: [E, D_IN]
    aggr = jax.ops.segment_sum(msgs, dst, num_segments=N)  # scatter-add: [N, D_IN]
    out = aggr @ W_rel.T + b_rel + x @ W_root.T
    # activation = relu (default); norm is None; dropout p=0.0 is identity
    return jax.nn.relu(out)

if __name__ == "__main__":
    import jax
    _d = setup_inputs()
    print(jax.jit(kernel)(*tuple(_d.values())))

</pallas_src>

<mosaic_0001>
#map = affine_map<(d0, d1) -> (0, 0)>
#map1 = affine_map<(d0, d1) -> (0, 0, 0)>
module attributes {stable_mosaic.version = 14 : i64} {
  func.func @agg(%arg0: i32, %arg1: i32, %arg2: memref<10000x128xf32, #tpu.memory_space<hbm>>, %arg3: memref<2560x128xi32, #tpu.memory_space<hbm>>, %arg4: memref<2560x128xi32, #tpu.memory_space<hbm>>, %arg5: memref<640x128xf32, #tpu.memory_space<hbm>>, %arg6: memref<2x10000x128xf32, #tpu.memory_space<hbm>>, %arg7: memref<80x128xi32, #tpu.memory_space<vmem>>, %arg8: memref<40x128xi32, #tpu.memory_space<vmem>>, %arg9: memref<2x128x128xf32, #tpu.memory_space<vmem>>, %arg10: memref<10000x128xf32, #tpu.memory_space<vmem_shared>>, %arg11: memref<!tpu.dma_semaphore, #tpu.memory_space<semaphore_mem>>, %arg12: memref<!tpu.dma_semaphore, #tpu.memory_space<semaphore_mem>>) attributes {dimension_semantics = [#tpu.dimension_semantics<core_parallel>, #tpu.dimension_semantics<subcore_parallel>], iteration_bounds = array<i64: 2, 16>, scalar_prefetch = 0 : i64, scratch_operands = 6 : i64, tpu.core_type = #tpu.core_type<sc_vector_subcore>, window_params = [{transform_indices = #map}, {transform_indices = #map}, {transform_indices = #map}, {transform_indices = #map}, {transform_indices = #map1}]} {
    %mul3A = arith.constant 2 : i32
    %mul3A_0 = arith.muli %arg1, %mul3A : i32
    %add3A = arith.addi %mul3A_0, %arg0 : i32
    %mul3A_1 = arith.constant 80 : i32
    %mul3A_2 = arith.muli %add3A, %mul3A_1 : i32
    %sub3A = arith.constant 2500 : i32
    %sub3A_3 = arith.subi %sub3A, %mul3A_2 : i32
    %jit3A = arith.constant 0 : i32
    %jit3A_4 = arith.constant 80 : i32
    %max3A = arith.maxsi %jit3A, %sub3A_3 : i32
    %min3A = arith.minsi %jit3A_4, %max3A : i32
    %lt3A = arith.constant 15 : i32
    %lt3A_5 = arith.cmpi slt, %arg1, %lt3A : i32
    %convert_element_type3A = arith.extui %lt3A_5 : i1 to i32
    %cond3A = arith.constant 0 : i32
    %cond3A_6 = arith.cmpi ne, %convert_element_type3A, %cond3A : i32
    scf.if %cond3A_6 {
      %mul3A_50 = arith.constant 624 : i32
      %mul3A_51 = arith.muli %arg1, %mul3A_50 : i32
      "tpu.region"() ({
        %run_scoped3A = tpu.sem_alloc : memref<!tpu.dma_semaphore, #tpu.memory_space<semaphore_mem>>
        %dma_start3A_52 = arith.constant 0 : i32
        %dma_start3A_53 = tpu.memref_slice %arg10[%mul3A_51, %dma_start3A_52] : memref<10000x128xf32, #tpu.memory_space<vmem_shared>> -> memref<624x128xf32, #tpu.memory_space<vmem_shared>>
        %dma_start3A_54 = arith.constant 0 : i32
        %dma_start3A_55 = arith.constant 0 : i32
        %dma_start3A_56 = tpu.memref_slice %arg5[%dma_start3A_54, %dma_start3A_55] : memref<640x128xf32, #tpu.memory_space<hbm>> -> memref<624x128xf32, #tpu.memory_space<hbm>>
        tpu.enqueue_dma source(%dma_start3A_56 : memref<624x128xf32, #tpu.memory_space<hbm>>) target(%dma_start3A_53 : memref<624x128xf32, #tpu.memory_space<vmem_shared>>) target_semaphore(%run_scoped3A : memref<!tpu.dma_semaphore, #tpu.memory_space<semaphore_mem>>)
        %dma_wait3A = arith.constant 0 : i32
        %dma_wait3A_57 = tpu.memref_slice %arg10[%mul3A_51, %dma_wait3A] : memref<10000x128xf32, #tpu.memory_space<vmem_shared>> -> memref<624x128xf32, #tpu.memory_space<vmem_shared>>
        %dma_wait3A_58 = arith.constant 0 : i32
        %dma_wait3A_59 = arith.constant 0 : i32
        %dma_wait3A_60 = tpu.memref_slice %arg5[%dma_wait3A_58, %dma_wait3A_59] : memref<640x128xf32, #tpu.memory_space<hbm>> -> memref<624x128xf32, #tpu.memory_space<hbm>>
        tpu.wait_dma2 semaphore(%run_scoped3A : memref<!tpu.dma_semaphore, #tpu.memory_space<semaphore_mem>>) src(%dma_wait3A_60 : memref<624x128xf32, #tpu.memory_space<hbm>>) dst(%dma_wait3A_57 : memref<624x128xf32, #tpu.memory_space<vmem_shared>>)
        tpu.yield
      }) : () -> ()
    } else {
    }
    %eq3A = arith.constant 15 : i32
    %eq3A_7 = arith.cmpi eq, %arg1, %eq3A : i32
    %convert_element_type3A_8 = arith.extui %eq3A_7 : i1 to i32
    %cond3A_9 = arith.constant 0 : i32
    %cond3A_10 = arith.cmpi ne, %convert_element_type3A_8, %cond3A_9 : i32
    scf.if %cond3A_10 {
      "tpu.region"() ({
        %run_scoped3A = tpu.sem_alloc : memref<!tpu.dma_semaphore, #tpu.memory_space<semaphore_mem>>
        %dma_start3A_50 = arith.constant 9360 : i32
        %dma_start3A_51 = arith.constant 0 : i32
        %dma_start3A_52 = tpu.memref_slice %arg10[%dma_start3A_50, %dma_start3A_51] : memref<10000x128xf32, #tpu.memory_space<vmem_shared>> -> memref<640x128xf32, #tpu.memory_space<vmem_shared>>
        tpu.enqueue_dma source(%arg5 : memref<640x128xf32, #tpu.memory_space<hbm>>) target(%dma_start3A_52 : memref<640x128xf32, #tpu.memory_space<vmem_shared>>) target_semaphore(%run_scoped3A : memref<!tpu.dma_semaphore, #tpu.memory_space<semaphore_mem>>)
        %dma_wait3A = arith.constant 9360 : i32
        %dma_wait3A_53 = arith.constant 0 : i32
        %dma_wait3A_54 = tpu.memref_slice %arg10[%dma_wait3A, %dma_wait3A_53] : memref<10000x128xf32, #tpu.memory_space<vmem_shared>> -> memref<640x128xf32, #tpu.memory_space<vmem_shared>>
        tpu.wait_dma2 semaphore(%run_scoped3A : memref<!tpu.dma_semaphore, #tpu.memory_space<semaphore_mem>>) src(%arg5 : memref<640x128xf32, #tpu.memory_space<hbm>>) dst(%dma_wait3A_54 : memref<640x128xf32, #tpu.memory_space<vmem_shared>>)
        tpu.yield
      }) : () -> ()
    } else {
    }
    "tpu.region"() ({
      %run_scoped3A = tpu.sem_alloc : memref<!tpu.dma_semaphore, #tpu.memory_space<semaphore_mem>>
      %dma_start3A_50 = arith.constant 0 : i32
      %dma_start3A_51 = tpu.memref_slice %arg3[%mul3A_2, %dma_start3A_50] : memref<2560x128xi32, #tpu.memory_space<hbm>> -> memref<80x128xi32, #tpu.memory_space<hbm>>
      %dma_start3A_52 = arith.constant 0 : i32
      %dma_start3A_53 = tpu.memref_slice %arg3[%mul3A_2, %dma_start3A_52] : memref<2560x128xi32, #tpu.memory_space<hbm>> -> memref<80x128xi32, #tpu.memory_space<hbm>>
      tpu.enqueue_dma source(%dma_start3A_53 : memref<80x128xi32, #tpu.memory_space<hbm>>) target(%arg7 : memref<80x128xi32, #tpu.memory_space<vmem>>) target_semaphore(%run_scoped3A : memref<!tpu.dma_semaphore, #tpu.memory_space<semaphore_mem>>)
      %dma_wait3A = arith.constant 0 : i32
      %dma_wait3A_54 = tpu.memref_slice %arg3[%mul3A_2, %dma_wait3A] : memref<2560x128xi32, #tpu.memory_space<hbm>> -> memref<80x128xi32, #tpu.memory_space<hbm>>
      %dma_wait3A_55 = arith.constant 0 : i32
      %dma_wait3A_56 = tpu.memref_slice %arg3[%mul3A_2, %dma_wait3A_55] : memref<2560x128xi32, #tpu.memory_space<hbm>> -> memref<80x128xi32, #tpu.memory_space<hbm>>
      tpu.wait_dma2 semaphore(%run_scoped3A : memref<!tpu.dma_semaphore, #tpu.memory_space<semaphore_mem>>) src(%dma_wait3A_56 : memref<80x128xi32, #tpu.memory_space<hbm>>) dst(%arg7 : memref<80x128xi32, #tpu.memory_space<vmem>>)
      tpu.yield
    }) : () -> ()
    "tpu.region"() ({
      %run_scoped3A = tpu.sem_alloc : memref<!tpu.dma_semaphore, #tpu.memory_space<semaphore_mem>>
      %dma_start3A_50 = arith.constant 0 : i32
      %dma_start3A_51 = tpu.memref_slice %arg4[%mul3A_2, %dma_start3A_50] : memref<2560x128xi32, #tpu.memory_space<hbm>> -> memref<40x128xi32, #tpu.memory_space<hbm>>
      %dma_start3A_52 = arith.constant 0 : i32
      %dma_start3A_53 = tpu.memref_slice %arg4[%mul3A_2, %dma_start3A_52] : memref<2560x128xi32, #tpu.memory_space<hbm>> -> memref<40x128xi32, #tpu.memory_space<hbm>>
      tpu.enqueue_dma source(%dma_start3A_53 : memref<40x128xi32, #tpu.memory_space<hbm>>) target(%arg8 : memref<40x128xi32, #tpu.memory_space<vmem>>) target_semaphore(%run_scoped3A : memref<!tpu.dma_semaphore, #tpu.memory_space<semaphore_mem>>)
      %dma_wait3A = arith.constant 0 : i32
      %dma_wait3A_54 = tpu.memref_slice %arg4[%mul3A_2, %dma_wait3A] : memref<2560x128xi32, #tpu.memory_space<hbm>> -> memref<40x128xi32, #tpu.memory_space<hbm>>
      %dma_wait3A_55 = arith.constant 0 : i32
      %dma_wait3A_56 = tpu.memref_slice %arg4[%mul3A_2, %dma_wait3A_55] : memref<2560x128xi32, #tpu.memory_space<hbm>> -> memref<40x128xi32, #tpu.memory_space<hbm>>
      tpu.wait_dma2 semaphore(%run_scoped3A : memref<!tpu.dma_semaphore, #tpu.memory_space<semaphore_mem>>) src(%dma_wait3A_56 : memref<40x128xi32, #tpu.memory_space<hbm>>) dst(%arg8 : memref<40x128xi32, #tpu.memory_space<vmem>>)
      tpu.yield
    }) : () -> ()
    %barrier3A = arith.constant 0 : index
    tpu.barrier barrier_id(%barrier3A)
    %dma_start3A = arith.constant 0 : i32
    %dma_start3A_11 = arith.constant 0 : i32
    %dma_start3A_12 = arith.constant 0 : i32
    %dma_start3A_13 = arith.constant 0 : i32
    %dma_start3A_14 = tpu.memref_slice %arg9[%dma_start3A_11, %dma_start3A_12, %dma_start3A_13] : memref<2x128x128xf32, #tpu.memory_space<vmem>> -> memref<1x128x128xf32, #tpu.memory_space<vmem>>
    %dma_start3A_15 = tpu.memref_squeeze %dma_start3A_14 : memref<1x128x128xf32, #tpu.memory_space<vmem>> -> memref<128x128xf32, #tpu.memory_space<vmem>>
    %dma_start3A_16 = arith.constant 0 : i32
    %dma_start3A_17 = tpu.memref_slice %arg7[%dma_start3A, %dma_start3A_16] : memref<80x128xi32, #tpu.memory_space<vmem>> -> memref<1x128xi32, #tpu.memory_space<vmem>>
    %dma_start3A_18 = tpu.memref_squeeze %dma_start3A_17 : memref<1x128xi32, #tpu.memory_space<vmem>> -> memref<128xi32, #tpu.memory_space<vmem>>
    %dma_start3A_19 = arith.constant 0 : i32
    %dma_start3A_20 = arith.constant 0 : i32
    %dma_start3A_21 = tpu.memref_slice %arg2[%dma_start3A_19, %dma_start3A_20] : memref<10000x128xf32, #tpu.memory_space<hbm>> -> memref<10000x128xf32, #tpu.memory_space<hbm>>
    tpu.enqueue_indirect_dma source(%dma_start3A_21 : memref<10000x128xf32, #tpu.memory_space<hbm>>) target(%dma_start3A_15 : memref<128x128xf32, #tpu.memory_space<vmem>>) offsets(%dma_start3A_18 : memref<128xi32, #tpu.memory_space<vmem>>) semaphore(%arg11 : memref<!tpu.dma_semaphore, #tpu.memory_space<semaphore_mem>>)
    %scan3A = arith.constant 0 : i32
    %scan3A_22 = arith.constant 0 : i32
    %scan3A_23 = arith.constant 20 : i32
    %scan3A_24 = arith.addi %scan3A_22, %scan3A_23 : i32
    %scan3A_25 = arith.constant 1 : i32
    scf.for %scan3A_50 = %scan3A_22 to %scan3A_24 step %scan3A_25  : i32 {
      %mul3A_51 = arith.constant 2 : i32
      %mul3A_52 = arith.muli %scan3A_50, %mul3A_51 : i32
      %add3A_53 = arith.constant 0 : i32
      %add3A_54 = arith.addi %mul3A_52, %add3A_53 : i32
      %add3A_55 = arith.constant 1 : i32
      %add3A_56 = arith.addi %add3A_54, %add3A_55 : i32
      %gt3A = arith.constant 0 : i32
      %gt3A_57 = arith.cmpi sgt, %add3A_54, %gt3A : i32
      %sub3A_58 = arith.constant 1 : i32
      %sub3A_59 = arith.subi %add3A_54, %sub3A_58 : i32
      %lt3A_60 = arith.cmpi slt, %sub3A_59, %min3A : i32
      %and3A = arith.andi %gt3A_57, %lt3A_60 : i1
      %convert_element_type3A_61 = arith.extui %and3A : i1 to i32
      %cond3A_62 = arith.constant 0 : i32
      %cond3A_63 = arith.cmpi ne, %convert_element_type3A_61, %cond3A_62 : i32
      scf.if %cond3A_63 {
        %dma_wait3A = arith.constant 0 : i32
        %dma_wait3A_95 = arith.constant 0 : i32
        %dma_wait3A_96 = arith.constant 0 : i32
        %dma_wait3A_97 = arith.constant 0 : i32
        %dma_wait3A_98 = tpu.memref_slice %arg9[%dma_wait3A, %dma_wait3A_96, %dma_wait3A_97] : memref<2x128x128xf32, #tpu.memory_space<vmem>> -> memref<1x128x128xf32, #tpu.memory_space<vmem>>
        %dma_wait3A_99 = tpu.memref_squeeze %dma_wait3A_98 : memref<1x128x128xf32, #tpu.memory_space<vmem>> -> memref<128x128xf32, #tpu.memory_space<vmem>>
        %dma_wait3A_100 = arith.constant 0 : i32
        %dma_wait3A_101 = tpu.memref_slice %arg8[%dma_wait3A_95, %dma_wait3A_100] : memref<40x128xi32, #tpu.memory_space<vmem>> -> memref<1x128xi32, #tpu.memory_space<vmem>>
        %dma_wait3A_102 = tpu.memref_squeeze %dma_wait3A_101 : memref<1x128xi32, #tpu.memory_space<vmem>> -> memref<128xi32, #tpu.memory_space<vmem>>
        %dma_wait3A_103 = arith.constant 0 : i32
        %dma_wait3A_104 = arith.constant 0 : i32
        %dma_wait3A_105 = tpu.memref_slice %arg10[%dma_wait3A_103, %dma_wait3A_104] : memref<10000x128xf32, #tpu.memory_space<vmem_shared>> -> memref<10000x128xf32, #tpu.memory_space<vmem_shared>>
        tpu.wait_indirect_dma semaphore(%arg12 : memref<!tpu.dma_semaphore, #tpu.memory_space<semaphore_mem>>) src(%dma_wait3A_99 : memref<128x128xf32, #tpu.memory_space<vmem>>) dst(%dma_wait3A_105 : memref<10000x128xf32, #tpu.memory_space<vmem_shared>>)
      } else {
      }
      %lt3A_64 = arith.cmpi slt, %add3A_56, %min3A : i32
      %convert_element_type3A_65 = arith.extui %lt3A_64 : i1 to i32
      %cond3A_66 = arith.constant 0 : i32
      %cond3A_67 = arith.cmpi ne, %convert_element_type3A_65, %cond3A_66 : i32
      scf.if %cond3A_67 {
        %dma_start3A_95 = arith.constant 1 : i32
        %dma_start3A_96 = arith.constant 0 : i32
        %dma_start3A_97 = arith.constant 0 : i32
        %dma_start3A_98 = tpu.memref_slice %arg9[%dma_start3A_95, %dma_start3A_96, %dma_start3A_97] : memref<2x128x128xf32, #tpu.memory_space<vmem>> -> memref<1x128x128xf32, #tpu.memory_space<vmem>>
        %dma_start3A_99 = tpu.memref_squeeze %dma_start3A_98 : memref<1x128x128xf32, #tpu.memory_space<vmem>> -> memref<128x128xf32, #tpu.memory_space<vmem>>
        %dma_start3A_100 = arith.constant 0 : i32
        %dma_start3A_101 = tpu.memref_slice %arg7[%add3A_56, %dma_start3A_100] : memref<80x128xi32, #tpu.memory_space<vmem>> -> memref<1x128xi32, #tpu.memory_space<vmem>>
        %dma_start3A_102 = tpu.memref_squeeze %dma_start3A_101 : memref<1x128xi32, #tpu.memory_space<vmem>> -> memref<128xi32, #tpu.memory_space<vmem>>
        %dma_start3A_103 = arith.constant 0 : i32
        %dma_start3A_104 = arith.constant 0 : i32
        %dma_start3A_105 = tpu.memref_slice %arg2[%dma_start3A_103, %dma_start3A_104] : memref<10000x128xf32, #tpu.memory_space<hbm>> -> memref<10000x128xf32, #tpu.memory_space<hbm>>
        tpu.enqueue_indirect_dma source(%dma_start3A_105 : memref<10000x128xf32, #tpu.memory_space<hbm>>) target(%dma_start3A_99 : memref<128x128xf32, #tpu.memory_space<vmem>>) offsets(%dma_start3A_102 : memref<128xi32, #tpu.memory_space<vmem>>) semaphore(%arg11 : memref<!tpu.dma_semaphore, #tpu.memory_space<semaphore_mem>>)
      } else {
      }
      %lt3A_68 = arith.cmpi slt, %add3A_54, %min3A : i32
      %convert_element_type3A_69 = arith.extui %lt3A_68 : i1 to i32
      %cond3A_70 = arith.constant 0 : i32
      %cond3A_71 = arith.cmpi ne, %convert_element_type3A_69, %cond3A_70 : i32
      scf.if %cond3A_71 {
        %dma_wait3A = arith.constant 0 : i32
        %dma_wait3A_95 = arith.constant 0 : i32
        %dma_wait3A_96 = arith.constant 0 : i32
        %dma_wait3A_97 = tpu.memref_slice %arg9[%dma_wait3A, %dma_wait3A_95, %dma_wait3A_96] : memref<2x128x128xf32, #tpu.memory_space<vmem>> -> memref<1x128x128xf32, #tpu.memory_space<vmem>>
        %dma_wait3A_98 = tpu.memref_squeeze %dma_wait3A_97 : memref<1x128x128xf32, #tpu.memory_space<vmem>> -> memref<128x128xf32, #tpu.memory_space<vmem>>
        %dma_wait3A_99 = arith.constant 0 : i32
        %dma_wait3A_100 = tpu.memref_slice %arg7[%add3A_54, %dma_wait3A_99] : memref<80x128xi32, #tpu.memory_space<vmem>> -> memref<1x128xi32, #tpu.memory_space<vmem>>
        %dma_wait3A_101 = tpu.memref_squeeze %dma_wait3A_100 : memref<1x128xi32, #tpu.memory_space<vmem>> -> memref<128xi32, #tpu.memory_space<vmem>>
        %dma_wait3A_102 = arith.constant 0 : i32
        %dma_wait3A_103 = arith.constant 0 : i32
        %dma_wait3A_104 = tpu.memref_slice %arg2[%dma_wait3A_102, %dma_wait3A_103] : memref<10000x128xf32, #tpu.memory_space<hbm>> -> memref<10000x128xf32, #tpu.memory_space<hbm>>
        tpu.wait_indirect_dma semaphore(%arg11 : memref<!tpu.dma_semaphore, #tpu.memory_space<semaphore_mem>>) src(%dma_wait3A_104 : memref<10000x128xf32, #tpu.memory_space<hbm>>) dst(%dma_wait3A_98 : memref<128x128xf32, #tpu.memory_space<vmem>>)
        %sub3A_105 = arith.constant 0 : i32
        %sub3A_106 = arith.subi %add3A_54, %sub3A_105 : i32
        %dma_start3A_107 = arith.constant 0 : i32
        %dma_start3A_108 = arith.constant 0 : i32
        %dma_start3A_109 = arith.constant 0 : i32
        %dma_start3A_110 = tpu.memref_slice %arg9[%dma_start3A_107, %dma_start3A_108, %dma_start3A_109] : memref<2x128x128xf32, #tpu.memory_space<vmem>> -> memref<1x128x128xf32, #tpu.memory_space<vmem>>
        %dma_start3A_111 = tpu.memref_squeeze %dma_start3A_110 : memref<1x128x128xf32, #tpu.memory_space<vmem>> -> memref<128x128xf32, #tpu.memory_space<vmem>>
        %dma_start3A_112 = arith.constant 0 : i32
        %dma_start3A_113 = tpu.memref_slice %arg8[%sub3A_106, %dma_start3A_112] : memref<40x128xi32, #tpu.memory_space<vmem>> -> memref<1x128xi32, #tpu.memory_space<vmem>>
        %dma_start3A_114 = tpu.memref_squeeze %dma_start3A_113 : memref<1x128xi32, #tpu.memory_space<vmem>> -> memref<128xi32, #tpu.memory_space<vmem>>
        %dma_start3A_115 = arith.constant 0 : i32
        %dma_start3A_116 = arith.constant 0 : i32
        %dma_start3A_117 = tpu.memref_slice %arg10[%dma_start3A_115, %dma_start3A_116] : memref<10000x128xf32, #tpu.memory_space<vmem_shared>> -> memref<10000x128xf32, #tpu.memory_space<vmem_shared>>
        tpu.enqueue_indirect_dma source(%dma_start3A_111 : memref<128x128xf32, #tpu.memory_space<vmem>>) target(%dma_start3A_117 : memref<10000x128xf32, #tpu.memory_space<vmem_shared>>) offsets(%dma_start3A_114 : memref<128xi32, #tpu.memory_space<vmem>>) semaphore(%arg12 : memref<!tpu.dma_semaphore, #tpu.memory_space<semaphore_mem>>) {add = true}
      } else {
      }
      %mul3A_72 = arith.constant 2 : i32
      %mul3A_73 = arith.muli %scan3A_50, %mul3A_72 : i32
      %add3A_74 = arith.constant 1 : i32
      %add3A_75 = arith.addi %mul3A_73, %add3A_74 : i32
      %add3A_76 = arith.constant 1 : i32
      %add3A_77 = arith.addi %add3A_75, %add3A_76 : i32
      %gt3A_78 = arith.constant 0 : i32
      %gt3A_79 = arith.cmpi sgt, %add3A_75, %gt3A_78 : i32
      %sub3A_80 = arith.constant 1 : i32
      %sub3A_81 = arith.subi %add3A_75, %sub3A_80 : i32
      %lt3A_82 = arith.cmpi slt, %sub3A_81, %min3A : i32
      %and3A_83 = arith.andi %gt3A_79, %lt3A_82 : i1
      %convert_element_type3A_84 = arith.extui %and3A_83 : i1 to i32
      %cond3A_85 = arith.constant 0 : i32
      %cond3A_86 = arith.cmpi ne, %convert_element_type3A_84, %cond3A_85 : i32
      scf.if %cond3A_86 {
        %dma_wait3A = arith.constant 0 : i32
        %dma_wait3A_95 = arith.constant 0 : i32
        %dma_wait3A_96 = arith.constant 0 : i32
        %dma_wait3A_97 = arith.constant 0 : i32
        %dma_wait3A_98 = tpu.memref_slice %arg9[%dma_wait3A, %dma_wait3A_96, %dma_wait3A_97] : memref<2x128x128xf32, #tpu.memory_space<vmem>> -> memref<1x128x128xf32, #tpu.memory_space<vmem>>
        %dma_wait3A_99 = tpu.memref_squeeze %dma_wait3A_98 : memref<1x128x128xf32, #tpu.memory_space<vmem>> -> memref<128x128xf32, #tpu.memory_space<vmem>>
        %dma_wait3A_100 = arith.constant 0 : i32
        %dma_wait3A_101 = tpu.memref_slice %arg8[%dma_wait3A_95, %dma_wait3A_100] : memref<40x128xi32, #tpu.memory_space<vmem>> -> memref<1x128xi32, #tpu.memory_space<vmem>>
        %dma_wait3A_102 = tpu.memref_squeeze %dma_wait3A_101 : memref<1x128xi32, #tpu.memory_space<vmem>> -> memref<128xi32, #tpu.memory_space<vmem>>
        %dma_wait3A_103 = arith.constant 0 : i32
        %dma_wait3A_104 = arith.constant 0 : i32
        %dma_wait3A_105 = tpu.memref_slice %arg10[%dma_wait3A_103, %dma_wait3A_104] : memref<10000x128xf32, #tpu.memory_space<vmem_shared>> -> memref<10000x128xf32, #tpu.memory_space<vmem_shared>>
        tpu.wait_indirect_dma semaphore(%arg12 : memref<!tpu.dma_semaphore, #tpu.memory_space<semaphore_mem>>) src(%dma_wait3A_99 : memref<128x128xf32, #tpu.memory_space<vmem>>) dst(%dma_wait3A_105 : memref<10000x128xf32, #tpu.memory_space<vmem_shared>>)
      } else {
      }
      %lt3A_87 = arith.cmpi slt, %add3A_77, %min3A : i32
      %convert_element_type3A_88 = arith.extui %lt3A_87 : i1 to i32
      %cond3A_89 = arith.constant 0 : i32
      %cond3A_90 = arith.cmpi ne, %convert_element_type3A_88, %cond3A_89 : i32
      scf.if %cond3A_90 {
        %dma_start3A_95 = arith.constant 0 : i32
        %dma_start3A_96 = arith.constant 0 : i32
        %dma_start3A_97 = arith.constant 0 : i32
        %dma_start3A_98 = tpu.memref_slice %arg9[%dma_start3A_95, %dma_start3A_96, %dma_start3A_97] : memref<2x128x128xf32, #tpu.memory_space<vmem>> -> memref<1x128x128xf32, #tpu.memory_space<vmem>>
        %dma_start3A_99 = tpu.memref_squeeze %dma_start3A_98 : memref<1x128x128xf32, #tpu.memory_space<vmem>> -> memref<128x128xf32, #tpu.memory_space<vmem>>
        %dma_start3A_100 = arith.constant 0 : i32
        %dma_start3A_101 = tpu.memref_slice %arg7[%add3A_77, %dma_start3A_100] : memref<80x128xi32, #tpu.memory_space<vmem>> -> memref<1x128xi32, #tpu.memory_space<vmem>>
        %dma_start3A_102 = tpu.memref_squeeze %dma_start3A_101 : memref<1x128xi32, #tpu.memory_space<vmem>> -> memref<128xi32, #tpu.memory_space<vmem>>
        %dma_start3A_103 = arith.constant 0 : i32
        %dma_start3A_104 = arith.constant 0 : i32
        %dma_start3A_105 = tpu.memref_slice %arg2[%dma_start3A_103, %dma_start3A_104] : memref<10000x128xf32, #tpu.memory_space<hbm>> -> memref<10000x128xf32, #tpu.memory_space<hbm>>
        tpu.enqueue_indirect_dma source(%dma_start3A_105 : memref<10000x128xf32, #tpu.memory_space<hbm>>) target(%dma_start3A_99 : memref<128x128xf32, #tpu.memory_space<vmem>>) offsets(%dma_start3A_102 : memref<128xi32, #tpu.memory_space<vmem>>) semaphore(%arg11 : memref<!tpu.dma_semaphore, #tpu.memory_space<semaphore_mem>>)
      } else {
      }
      %lt3A_91 = arith.cmpi slt, %add3A_75, %min3A : i32
      %convert_element_type3A_92 = arith.extui %lt3A_91 : i1 to i32
      %cond3A_93 = arith.constant 0 : i32
      %cond3A_94 = arith.cmpi ne, %convert_element_type3A_92, %cond3A_93 : i32
      scf.if %cond3A_94 {
        %dma_wait3A = arith.constant 1 : i32
        %dma_wait3A_95 = arith.constant 0 : i32
        %dma_wait3A_96 = arith.constant 0 : i32
        %dma_wait3A_97 = tpu.memref_slice %arg9[%dma_wait3A, %dma_wait3A_95, %dma_wait3A_96] : memref<2x128x128xf32, #tpu.memory_space<vmem>> -> memref<1x128x128xf32, #tpu.memory_space<vmem>>
        %dma_wait3A_98 = tpu.memref_squeeze %dma_wait3A_97 : memref<1x128x128xf32, #tpu.memory_space<vmem>> -> memref<128x128xf32, #tpu.memory_space<vmem>>
        %dma_wait3A_99 = arith.constant 0 : i32
        %dma_wait3A_100 = tpu.memref_slice %arg7[%add3A_75, %dma_wait3A_99] : memref<80x128xi32, #tpu.memory_space<vmem>> -> memref<1x128xi32, #tpu.memory_space<vmem>>
        %dma_wait3A_101 = tpu.memref_squeeze %dma_wait3A_100 : memref<1x128xi32, #tpu.memory_space<vmem>> -> memref<128xi32, #tpu.memory_space<vmem>>
        %dma_wait3A_102 = arith.constant 0 : i32
        %dma_wait3A_103 = arith.constant 0 : i32
        %dma_wait3A_104 = tpu.memref_slice %arg2[%dma_wait3A_102, %dma_wait3A_103] : memref<10000x128xf32, #tpu.memory_space<hbm>> -> memref<10000x128xf32, #tpu.memory_space<hbm>>
        tpu.wait_indirect_dma semaphore(%arg11 : memref<!tpu.dma_semaphore, #tpu.memory_space<semaphore_mem>>) src(%dma_wait3A_104 : memref<10000x128xf32, #tpu.memory_space<hbm>>) dst(%dma_wait3A_98 : memref<128x128xf32, #tpu.memory_space<vmem>>)
        %sub3A_105 = arith.constant 0 : i32
        %sub3A_106 = arith.subi %add3A_75, %sub3A_105 : i32
        %dma_start3A_107 = arith.constant 1 : i32
        %dma_start3A_108 = arith.constant 0 : i32
        %dma_start3A_109 = arith.constant 0 : i32
        %dma_start3A_110 = tpu.memref_slice %arg9[%dma_start3A_107, %dma_start3A_108, %dma_start3A_109] : memref<2x128x128xf32, #tpu.memory_space<vmem>> -> memref<1x128x128xf32, #tpu.memory_space<vmem>>
        %dma_start3A_111 = tpu.memref_squeeze %dma_start3A_110 : memref<1x128x128xf32, #tpu.memory_space<vmem>> -> memref<128x128xf32, #tpu.memory_space<vmem>>
        %dma_start3A_112 = arith.constant 0 : i32
        %dma_start3A_113 = tpu.memref_slice %arg8[%sub3A_106, %dma_start3A_112] : memref<40x128xi32, #tpu.memory_space<vmem>> -> memref<1x128xi32, #tpu.memory_space<vmem>>
        %dma_start3A_114 = tpu.memref_squeeze %dma_start3A_113 : memref<1x128xi32, #tpu.memory_space<vmem>> -> memref<128xi32, #tpu.memory_space<vmem>>
        %dma_start3A_115 = arith.constant 0 : i32
        %dma_start3A_116 = arith.constant 0 : i32
        %dma_start3A_117 = tpu.memref_slice %arg10[%dma_start3A_115, %dma_start3A_116] : memref<10000x128xf32, #tpu.memory_space<vmem_shared>> -> memref<10000x128xf32, #tpu.memory_space<vmem_shared>>
        tpu.enqueue_indirect_dma source(%dma_start3A_111 : memref<128x128xf32, #tpu.memory_space<vmem>>) target(%dma_start3A_117 : memref<10000x128xf32, #tpu.memory_space<vmem_shared>>) offsets(%dma_start3A_114 : memref<128xi32, #tpu.memory_space<vmem>>) semaphore(%arg12 : memref<!tpu.dma_semaphore, #tpu.memory_space<semaphore_mem>>) {add = true}
      } else {
      }
    }
    %scan3A_26 = arith.constant 20 : i32
    %ge3A = arith.constant 40 : i32
    %ge3A_27 = arith.cmpi sge, %min3A, %ge3A : i32
    %convert_element_type3A_28 = arith.extui %ge3A_27 : i1 to i32
    %cond3A_29 = arith.constant 0 : i32
    %cond3A_30 = arith.cmpi ne, %convert_element_type3A_28, %cond3A_29 : i32
    scf.if %cond3A_30 {
      %dma_wait3A = arith.constant 0 : i32
      %dma_wait3A_50 = arith.constant 0 : i32
      %dma_wait3A_51 = arith.constant 0 : i32
      %dma_wait3A_52 = arith.constant 0 : i32
      %dma_wait3A_53 = tpu.memref_slice %arg9[%dma_wait3A, %dma_wait3A_51, %dma_wait3A_52] : memref<2x128x128xf32, #tpu.memory_space<vmem>> -> memref<1x128x128xf32, #tpu.memory_space<vmem>>
      %dma_wait3A_54 = tpu.memref_squeeze %dma_wait3A_53 : memref<1x128x128xf32, #tpu.memory_space<vmem>> -> memref<128x128xf32, #tpu.memory_space<vmem>>
      %dma_wait3A_55 = arith.constant 0 : i32
      %dma_wait3A_56 = tpu.memref_slice %arg8[%dma_wait3A_50, %dma_wait3A_55] : memref<40x128xi32, #tpu.memory_space<vmem>> -> memref<1x128xi32, #tpu.memory_space<vmem>>
      %dma_wait3A_57 = tpu.memref_squeeze %dma_wait3A_56 : memref<1x128xi32, #tpu.memory_space<vmem>> -> memref<128xi32, #tpu.memory_space<vmem>>
      %dma_wait3A_58 = arith.constant 0 : i32
      %dma_wait3A_59 = arith.constant 0 : i32
      %dma_wait3A_60 = tpu.memref_slice %arg10[%dma_wait3A_58, %dma_wait3A_59] : memref<10000x128xf32, #tpu.memory_space<vmem_shared>> -> memref<10000x128xf32, #tpu.memory_space<vmem_shared>>
      tpu.wait_indirect_dma semaphore(%arg12 : memref<!tpu.dma_semaphore, #tpu.memory_space<semaphore_mem>>) src(%dma_wait3A_54 : memref<128x128xf32, #tpu.memory_space<vmem>>) dst(%dma_wait3A_60 : memref<10000x128xf32, #tpu.memory_space<vmem_shared>>)
    } else {
    }
    %add3A_31 = arith.constant 40 : i32
    %add3A_32 = arith.addi %mul3A_2, %add3A_31 : i32
    "tpu.region"() ({
      %run_scoped3A = tpu.sem_alloc : memref<!tpu.dma_semaphore, #tpu.memory_space<semaphore_mem>>
      %dma_start3A_50 = arith.constant 0 : i32
      %dma_start3A_51 = tpu.memref_slice %arg4[%add3A_32, %dma_start3A_50] : memref<2560x128xi32, #tpu.memory_space<hbm>> -> memref<40x128xi32, #tpu.memory_space<hbm>>
      %dma_start3A_52 = arith.constant 0 : i32
      %dma_start3A_53 = tpu.memref_slice %arg4[%add3A_32, %dma_start3A_52] : memref<2560x128xi32, #tpu.memory_space<hbm>> -> memref<40x128xi32, #tpu.memory_space<hbm>>
      tpu.enqueue_dma source(%dma_start3A_53 : memref<40x128xi32, #tpu.memory_space<hbm>>) target(%arg8 : memref<40x128xi32, #tpu.memory_space<vmem>>) target_semaphore(%run_scoped3A : memref<!tpu.dma_semaphore, #tpu.memory_space<semaphore_mem>>)
      %dma_wait3A = arith.constant 0 : i32
      %dma_wait3A_54 = tpu.memref_slice %arg4[%add3A_32, %dma_wait3A] : memref<2560x128xi32, #tpu.memory_space<hbm>> -> memref<40x128xi32, #tpu.memory_space<hbm>>
      %dma_wait3A_55 = arith.constant 0 : i32
      %dma_wait3A_56 = tpu.memref_slice %arg4[%add3A_32, %dma_wait3A_55] : memref<2560x128xi32, #tpu.memory_space<hbm>> -> memref<40x128xi32, #tpu.memory_space<hbm>>
      tpu.wait_dma2 semaphore(%run_scoped3A : memref<!tpu.dma_semaphore, #tpu.memory_space<semaphore_mem>>) src(%dma_wait3A_56 : memref<40x128xi32, #tpu.memory_space<hbm>>) dst(%arg8 : memref<40x128xi32, #tpu.memory_space<vmem>>)
      tpu.yield
    }) : () -> ()
    %scan3A_33 = arith.constant 0 : i32
    %scan3A_34 = arith.constant 20 : i32
    %scan3A_35 = arith.constant 22 : i32
    %scan3A_36 = arith.addi %scan3A_34, %scan3A_35 : i32
    %scan3A_37 = arith.constant 1 : i32
    scf.for %scan3A_50 = %scan3A_34 to %scan3A_36 step %scan3A_37  : i32 {
      %mul3A_51 = arith.constant 2 : i32
      %mul3A_52 = arith.muli %scan3A_50, %mul3A_51 : i32
      %add3A_53 = arith.constant 0 : i32
      %add3A_54 = arith.addi %mul3A_52, %add3A_53 : i32
      %add3A_55 = arith.constant 1 : i32
      %add3A_56 = arith.addi %add3A_54, %add3A_55 : i32
      %gt3A = arith.constant 40 : i32
      %gt3A_57 = arith.cmpi sgt, %add3A_54, %gt3A : i32
      %sub3A_58 = arith.constant 1 : i32
      %sub3A_59 = arith.subi %add3A_54, %sub3A_58 : i32
      %lt3A_60 = arith.cmpi slt, %sub3A_59, %min3A : i32
      %and3A = arith.andi %gt3A_57, %lt3A_60 : i1
      %convert_element_type3A_61 = arith.extui %and3A : i1 to i32
      %cond3A_62 = arith.constant 0 : i32
      %cond3A_63 = arith.cmpi ne, %convert_element_type3A_61, %cond3A_62 : i32
      scf.if %cond3A_63 {
        %dma_wait3A = arith.constant 0 : i32
        %dma_wait3A_95 = arith.constant 0 : i32
        %dma_wait3A_96 = arith.constant 0 : i32
        %dma_wait3A_97 = arith.constant 0 : i32
        %dma_wait3A_98 = tpu.memref_slice %arg9[%dma_wait3A, %dma_wait3A_96, %dma_wait3A_97] : memref<2x128x128xf32, #tpu.memory_space<vmem>> -> memref<1x128x128xf32, #tpu.memory_space<vmem>>
        %dma_wait3A_99 = tpu.memref_squeeze %dma_wait3A_98 : memref<1x128x128xf32, #tpu.memory_space<vmem>> -> memref<128x128xf32, #tpu.memory_space<vmem>>
        %dma_wait3A_100 = arith.constant 0 : i32
        %dma_wait3A_101 = tpu.memref_slice %arg8[%dma_wait3A_95, %dma_wait3A_100] : memref<40x128xi32, #tpu.memory_space<vmem>> -> memref<1x128xi32, #tpu.memory_space<vmem>>
        %dma_wait3A_102 = tpu.memref_squeeze %dma_wait3A_101 : memref<1x128xi32, #tpu.memory_space<vmem>> -> memref<128xi32, #tpu.memory_space<vmem>>
        %dma_wait3A_103 = arith.constant 0 : i32
        %dma_wait3A_104 = arith.constant 0 : i32
        %dma_wait3A_105 = tpu.memref_slice %arg10[%dma_wait3A_103, %dma_wait3A_104] : memref<10000x128xf32, #tpu.memory_space<vmem_shared>> -> memref<10000x128xf32, #tpu.memory_space<vmem_shared>>
        tpu.wait_indirect_dma semaphore(%arg12 : memref<!tpu.dma_semaphore, #tpu.memory_space<semaphore_mem>>) src(%dma_wait3A_99 : memref<128x128xf32, #tpu.memory_space<vmem>>) dst(%dma_wait3A_105 : memref<10000x128xf32, #tpu.memory_space<vmem_shared>>)
      } else {
      }
      %lt3A_64 = arith.cmpi slt, %add3A_56, %min3A : i32
      %convert_element_type3A_65 = arith.extui %lt3A_64 : i1 to i32
      %cond3A_66 = arith.constant 0 : i32
      %cond3A_67 = arith.cmpi ne, %convert_element_type3A_65, %cond3A_66 : i32
      scf.if %cond3A_67 {
        %dma_start3A_95 = arith.constant 1 : i32
        %dma_start3A_96 = arith.constant 0 : i32
        %dma_start3A_97 = arith.constant 0 : i32
        %dma_start3A_98 = tpu.memref_slice %arg9[%dma_start3A_95, %dma_start3A_96, %dma_start3A_97] : memref<2x128x128xf32, #tpu.memory_space<vmem>> -> memref<1x128x128xf32, #tpu.memory_space<vmem>>
        %dma_start3A_99 = tpu.memref_squeeze %dma_start3A_98 : memref<1x128x128xf32, #tpu.memory_space<vmem>> -> memref<128x128xf32, #tpu.memory_space<vmem>>
        %dma_start3A_100 = arith.constant 0 : i32
        %dma_start3A_101 = tpu.memref_slice %arg7[%add3A_56, %dma_start3A_100] : memref<80x128xi32, #tpu.memory_space<vmem>> -> memref<1x128xi32, #tpu.memory_space<vmem>>
        %dma_start3A_102 = tpu.memref_squeeze %dma_start3A_101 : memref<1x128xi32, #tpu.memory_space<vmem>> -> memref<128xi32, #tpu.memory_space<vmem>>
        %dma_start3A_103 = arith.constant 0 : i32
        %dma_start3A_104 = arith.constant 0 : i32
        %dma_start3A_105 = tpu.memref_slice %arg2[%dma_start3A_103, %dma_start3A_104] : memref<10000x128xf32, #tpu.memory_space<hbm>> -> memref<10000x128xf32, #tpu.memory_space<hbm>>
        tpu.enqueue_indirect_dma source(%dma_start3A_105 : memref<10000x128xf32, #tpu.memory_space<hbm>>) target(%dma_start3A_99 : memref<128x128xf32, #tpu.memory_space<vmem>>) offsets(%dma_start3A_102 : memref<128xi32, #tpu.memory_space<vmem>>) semaphore(%arg11 : memref<!tpu.dma_semaphore, #tpu.memory_space<semaphore_mem>>)
      } else {
      }
      %lt3A_68 = arith.cmpi slt, %add3A_54, %min3A : i32
      %convert_element_type3A_69 = arith.extui %lt3A_68 : i1 to i32
      %cond3A_70 = arith.constant 0 : i32
      %cond3A_71 = arith.cmpi ne, %convert_element_type3A_69, %cond3A_70 : i32
      scf.if %cond3A_71 {
        %dma_wait3A = arith.constant 0 : i32
        %dma_wait3A_95 = arith.constant 0 : i32
        %dma_wait3A_96 = arith.constant 0 : i32
        %dma_wait3A_97 = tpu.memref_slice %arg9[%dma_wait3A, %dma_wait3A_95, %dma_wait3A_96] : memref<2x128x128xf32, #tpu.memory_space<vmem>> -> memref<1x128x128xf32, #tpu.memory_space<vmem>>
        %dma_wait3A_98 = tpu.memref_squeeze %dma_wait3A_97 : memref<1x128x128xf32, #tpu.memory_space<vmem>> -> memref<128x128xf32, #tpu.memory_space<vmem>>
        %dma_wait3A_99 = arith.constant 0 : i32
        %dma_wait3A_100 = tpu.memref_slice %arg7[%add3A_54, %dma_wait3A_99] : memref<80x128xi32, #tpu.memory_space<vmem>> -> memref<1x128xi32, #tpu.memory_space<vmem>>
        %dma_wait3A_101 = tpu.memref_squeeze %dma_wait3A_100 : memref<1x128xi32, #tpu.memory_space<vmem>> -> memref<128xi32, #tpu.memory_space<vmem>>
        %dma_wait3A_102 = arith.constant 0 : i32
        %dma_wait3A_103 = arith.constant 0 : i32
        %dma_wait3A_104 = tpu.memref_slice %arg2[%dma_wait3A_102, %dma_wait3A_103] : memref<10000x128xf32, #tpu.memory_space<hbm>> -> memref<10000x128xf32, #tpu.memory_space<hbm>>
        tpu.wait_indirect_dma semaphore(%arg11 : memref<!tpu.dma_semaphore, #tpu.memory_space<semaphore_mem>>) src(%dma_wait3A_104 : memref<10000x128xf32, #tpu.memory_space<hbm>>) dst(%dma_wait3A_98 : memref<128x128xf32, #tpu.memory_space<vmem>>)
        %sub3A_105 = arith.constant 40 : i32
        %sub3A_106 = arith.subi %add3A_54, %sub3A_105 : i32
        %dma_start3A_107 = arith.constant 0 : i32
        %dma_start3A_108 = arith.constant 0 : i32
        %dma_start3A_109 = arith.constant 0 : i32
        %dma_start3A_110 = tpu.memref_slice %arg9[%dma_start3A_107, %dma_start3A_108, %dma_start3A_109] : memref<2x128x128xf32, #tpu.memory_space<vmem>> -> memref<1x128x128xf32, #tpu.memory_space<vmem>>
        %dma_start3A_111 = tpu.memref_squeeze %dma_start3A_110 : memref<1x128x128xf32, #tpu.memory_space<vmem>> -> memref<128x128xf32, #tpu.memory_space<vmem>>
        %dma_start3A_112 = arith.constant 0 : i32
        %dma_start3A_113 = tpu.memref_slice %arg8[%sub3A_106, %dma_start3A_112] : memref<40x128xi32, #tpu.memory_space<vmem>> -> memref<1x128xi32, #tpu.memory_space<vmem>>
        %dma_start3A_114 = tpu.memref_squeeze %dma_start3A_113 : memref<1x128xi32, #tpu.memory_space<vmem>> -> memref<128xi32, #tpu.memory_space<vmem>>
        %dma_start3A_115 = arith.constant 0 : i32
        %dma_start3A_116 = arith.constant 0 : i32
        %dma_start3A_117 = tpu.memref_slice %arg10[%dma_start3A_115, %dma_start3A_116] : memref<10000x128xf32, #tpu.memory_space<vmem_shared>> -> memref<10000x128xf32, #tpu.memory_space<vmem_shared>>
        tpu.enqueue_indirect_dma source(%dma_start3A_111 : memref<128x128xf32, #tpu.memory_space<vmem>>) target(%dma_start3A_117 : memref<10000x128xf32, #tpu.memory_space<vmem_shared>>) offsets(%dma_start3A_114 : memref<128xi32, #tpu.memory_space<vmem>>) semaphore(%arg12 : memref<!tpu.dma_semaphore, #tpu.memory_space<semaphore_mem>>) {add = true}
      } else {
      }
      %mul3A_72 = arith.constant 2 : i32
      %mul3A_73 = arith.muli %scan3A_50, %mul3A_72 : i32
      %add3A_74 = arith.constant 1 : i32
      %add3A_75 = arith.addi %mul3A_73, %add3A_74 : i32
      %add3A_76 = arith.constant 1 : i32
      %add3A_77 = arith.addi %add3A_75, %add3A_76 : i32
      %gt3A_78 = arith.constant 40 : i32
      %gt3A_79 = arith.cmpi sgt, %add3A_75, %gt3A_78 : i32
      %sub3A_80 = arith.constant 1 : i32
      %sub3A_81 = arith.subi %add3A_75, %sub3A_80 : i32
      %lt3A_82 = arith.cmpi slt, %sub3A_81, %min3A : i32
      %and3A_83 = arith.andi %gt3A_79, %lt3A_82 : i1
      %convert_element_type3A_84 = arith.extui %and3A_83 : i1 to i32
      %cond3A_85 = arith.constant 0 : i32
      %cond3A_86 = arith.cmpi ne, %convert_element_type3A_84, %cond3A_85 : i32
      scf.if %cond3A_86 {
        %dma_wait3A = arith.constant 0 : i32
        %dma_wait3A_95 = arith.constant 0 : i32
        %dma_wait3A_96 = arith.constant 0 : i32
        %dma_wait3A_97 = arith.constant 0 : i32
        %dma_wait3A_98 = tpu.memref_slice %arg9[%dma_wait3A, %dma_wait3A_96, %dma_wait3A_97] : memref<2x128x128xf32, #tpu.memory_space<vmem>> -> memref<1x128x128xf32, #tpu.memory_space<vmem>>
        %dma_wait3A_99 = tpu.memref_squeeze %dma_wait3A_98 : memref<1x128x128xf32, #tpu.memory_space<vmem>> -> memref<128x128xf32, #tpu.memory_space<vmem>>
        %dma_wait3A_100 = arith.constant 0 : i32
        %dma_wait3A_101 = tpu.memref_slice %arg8[%dma_wait3A_95, %dma_wait3A_100] : memref<40x128xi32, #tpu.memory_space<vmem>> -> memref<1x128xi32, #tpu.memory_space<vmem>>
        %dma_wait3A_102 = tpu.memref_squeeze %dma_wait3A_101 : memref<1x128xi32, #tpu.memory_space<vmem>> -> memref<128xi32, #tpu.memory_space<vmem>>
        %dma_wait3A_103 = arith.constant 0 : i32
        %dma_wait3A_104 = arith.constant 0 : i32
        %dma_wait3A_105 = tpu.memref_slice %arg10[%dma_wait3A_103, %dma_wait3A_104] : memref<10000x128xf32, #tpu.memory_space<vmem_shared>> -> memref<10000x128xf32, #tpu.memory_space<vmem_shared>>
        tpu.wait_indirect_dma semaphore(%arg12 : memref<!tpu.dma_semaphore, #tpu.memory_space<semaphore_mem>>) src(%dma_wait3A_99 : memref<128x128xf32, #tpu.memory_space<vmem>>) dst(%dma_wait3A_105 : memref<10000x128xf32, #tpu.memory_space<vmem_shared>>)
      } else {
      }
      %lt3A_87 = arith.cmpi slt, %add3A_77, %min3A : i32
      %convert_element_type3A_88 = arith.extui %lt3A_87 : i1 to i32
      %cond3A_89 = arith.constant 0 : i32
      %cond3A_90 = arith.cmpi ne, %convert_element_type3A_88, %cond3A_89 : i32
      scf.if %cond3A_90 {
        %dma_start3A_95 = arith.constant 0 : i32
        %dma_start3A_96 = arith.constant 0 : i32
        %dma_start3A_97 = arith.constant 0 : i32
        %dma_start3A_98 = tpu.memref_slice %arg9[%dma_start3A_95, %dma_start3A_96, %dma_start3A_97] : memref<2x128x128xf32, #tpu.memory_space<vmem>> -> memref<1x128x128xf32, #tpu.memory_space<vmem>>
        %dma_start3A_99 = tpu.memref_squeeze %dma_start3A_98 : memref<1x128x128xf32, #tpu.memory_space<vmem>> -> memref<128x128xf32, #tpu.memory_space<vmem>>
        %dma_start3A_100 = arith.constant 0 : i32
        %dma_start3A_101 = tpu.memref_slice %arg7[%add3A_77, %dma_start3A_100] : memref<80x128xi32, #tpu.memory_space<vmem>> -> memref<1x128xi32, #tpu.memory_space<vmem>>
        %dma_start3A_102 = tpu.memref_squeeze %dma_start3A_101 : memref<1x128xi32, #tpu.memory_space<vmem>> -> memref<128xi32, #tpu.memory_space<vmem>>
        %dma_start3A_103 = arith.constant 0 : i32
        %dma_start3A_104 = arith.constant 0 : i32
        %dma_start3A_105 = tpu.memref_slice %arg2[%dma_start3A_103, %dma_start3A_104] : memref<10000x128xf32, #tpu.memory_space<hbm>> -> memref<10000x128xf32, #tpu.memory_space<hbm>>
        tpu.enqueue_indirect_dma source(%dma_start3A_105 : memref<10000x128xf32, #tpu.memory_space<hbm>>) target(%dma_start3A_99 : memref<128x128xf32, #tpu.memory_space<vmem>>) offsets(%dma_start3A_102 : memref<128xi32, #tpu.memory_space<vmem>>) semaphore(%arg11 : memref<!tpu.dma_semaphore, #tpu.memory_space<semaphore_mem>>)
      } else {
      }
      %lt3A_91 = arith.cmpi slt, %add3A_75, %min3A : i32
      %convert_element_type3A_92 = arith.extui %lt3A_91 : i1 to i32
      %cond3A_93 = arith.constant 0 : i32
      %cond3A_94 = arith.cmpi ne, %convert_element_type3A_92, %cond3A_93 : i32
      scf.if %cond3A_94 {
        %dma_wait3A = arith.constant 1 : i32
        %dma_wait3A_95 = arith.constant 0 : i32
        %dma_wait3A_96 = arith.constant 0 : i32
        %dma_wait3A_97 = tpu.memref_slice %arg9[%dma_wait3A, %dma_wait3A_95, %dma_wait3A_96] : memref<2x128x128xf32, #tpu.memory_space<vmem>> -> memref<1x128x128xf32, #tpu.memory_space<vmem>>
        %dma_wait3A_98 = tpu.memref_squeeze %dma_wait3A_97 : memref<1x128x128xf32, #tpu.memory_space<vmem>> -> memref<128x128xf32, #tpu.memory_space<vmem>>
        %dma_wait3A_99 = arith.constant 0 : i32
        %dma_wait3A_100 = tpu.memref_slice %arg7[%add3A_75, %dma_wait3A_99] : memref<80x128xi32, #tpu.memory_space<vmem>> -> memref<1x128xi32, #tpu.memory_space<vmem>>
        %dma_wait3A_101 = tpu.memref_squeeze %dma_wait3A_100 : memref<1x128xi32, #tpu.memory_space<vmem>> -> memref<128xi32, #tpu.memory_space<vmem>>
        %dma_wait3A_102 = arith.constant 0 : i32
        %dma_wait3A_103 = arith.constant 0 : i32
        %dma_wait3A_104 = tpu.memref_slice %arg2[%dma_wait3A_102, %dma_wait3A_103] : memref<10000x128xf32, #tpu.memory_space<hbm>> -> memref<10000x128xf32, #tpu.memory_space<hbm>>
        tpu.wait_indirect_dma semaphore(%arg11 : memref<!tpu.dma_semaphore, #tpu.memory_space<semaphore_mem>>) src(%dma_wait3A_104 : memref<10000x128xf32, #tpu.memory_space<hbm>>) dst(%dma_wait3A_98 : memref<128x128xf32, #tpu.memory_space<vmem>>)
        %sub3A_105 = arith.constant 40 : i32
        %sub3A_106 = arith.subi %add3A_75, %sub3A_105 : i32
        %dma_start3A_107 = arith.constant 1 : i32
        %dma_start3A_108 = arith.constant 0 : i32
        %dma_start3A_109 = arith.constant 0 : i32
        %dma_start3A_110 = tpu.memref_slice %arg9[%dma_start3A_107, %dma_start3A_108, %dma_start3A_109] : memref<2x128x128xf32, #tpu.memory_space<vmem>> -> memref<1x128x128xf32, #tpu.memory_space<vmem>>
        %dma_start3A_111 = tpu.memref_squeeze %dma_start3A_110 : memref<1x128x128xf32, #tpu.memory_space<vmem>> -> memref<128x128xf32, #tpu.memory_space<vmem>>
        %dma_start3A_112 = arith.constant 0 : i32
        %dma_start3A_113 = tpu.memref_slice %arg8[%sub3A_106, %dma_start3A_112] : memref<40x128xi32, #tpu.memory_space<vmem>> -> memref<1x128xi32, #tpu.memory_space<vmem>>
        %dma_start3A_114 = tpu.memref_squeeze %dma_start3A_113 : memref<1x128xi32, #tpu.memory_space<vmem>> -> memref<128xi32, #tpu.memory_space<vmem>>
        %dma_start3A_115 = arith.constant 0 : i32
        %dma_start3A_116 = arith.constant 0 : i32
        %dma_start3A_117 = tpu.memref_slice %arg10[%dma_start3A_115, %dma_start3A_116] : memref<10000x128xf32, #tpu.memory_space<vmem_shared>> -> memref<10000x128xf32, #tpu.memory_space<vmem_shared>>
        tpu.enqueue_indirect_dma source(%dma_start3A_111 : memref<128x128xf32, #tpu.memory_space<vmem>>) target(%dma_start3A_117 : memref<10000x128xf32, #tpu.memory_space<vmem_shared>>) offsets(%dma_start3A_114 : memref<128xi32, #tpu.memory_space<vmem>>) semaphore(%arg12 : memref<!tpu.dma_semaphore, #tpu.memory_space<semaphore_mem>>) {add = true}
      } else {
      }
    }
    %scan3A_38 = arith.constant 22 : i32
    %barrier3A_39 = arith.constant 0 : index
    tpu.barrier barrier_id(%barrier3A_39)
    %lt3A_40 = arith.constant 15 : i32
    %lt3A_41 = arith.cmpi slt, %arg1, %lt3A_40 : i32
    %convert_element_type3A_42 = arith.extui %lt3A_41 : i1 to i32
    %cond3A_43 = arith.constant 0 : i32
    %cond3A_44 = arith.cmpi ne, %convert_element_type3A_42, %cond3A_43 : i32
    scf.if %cond3A_44 {
      %mul3A_50 = arith.constant 624 : i32
      %mul3A_51 = arith.muli %arg1, %mul3A_50 : i32
      %mul3A_52 = arith.constant 624 : i32
      %mul3A_53 = arith.muli %arg1, %mul3A_52 : i32
      "tpu.region"() ({
        %run_scoped3A = tpu.sem_alloc : memref<!tpu.dma_semaphore, #tpu.memory_space<semaphore_mem>>
        %dma_start3A_54 = arith.constant 0 : i32
        %dma_start3A_55 = tpu.memref_slice %arg6[%arg0, %mul3A_53, %dma_start3A_54] : memref<2x10000x128xf32, #tpu.memory_space<hbm>> -> memref<1x624x128xf32, #tpu.memory_space<hbm>>
        %dma_start3A_56 = tpu.memref_squeeze %dma_start3A_55 : memref<1x624x128xf32, #tpu.memory_space<hbm>> -> memref<624x128xf32, #tpu.memory_space<hbm>>
        %dma_start3A_57 = arith.constant 0 : i32
        %dma_start3A_58 = tpu.memref_slice %arg10[%mul3A_51, %dma_start3A_57] : memref<10000x128xf32, #tpu.memory_space<vmem_shared>> -> memref<624x128xf32, #tpu.memory_space<vmem_shared>>
        tpu.enqueue_dma source(%dma_start3A_58 : memref<624x128xf32, #tpu.memory_space<vmem_shared>>) target(%dma_start3A_56 : memref<624x128xf32, #tpu.memory_space<hbm>>) target_semaphore(%run_scoped3A : memref<!tpu.dma_semaphore, #tpu.memory_space<semaphore_mem>>)
        %dma_wait3A = arith.constant 0 : i32
        %dma_wait3A_59 = tpu.memref_slice %arg6[%arg0, %mul3A_53, %dma_wait3A] : memref<2x10000x128xf32, #tpu.memory_space<hbm>> -> memref<1x624x128xf32, #tpu.memory_space<hbm>>
        %dma_wait3A_60 = tpu.memref_squeeze %dma_wait3A_59 : memref<1x624x128xf32, #tpu.memory_space<hbm>> -> memref<624x128xf32, #tpu.memory_space<hbm>>
        %dma_wait3A_61 = arith.constant 0 : i32
        %dma_wait3A_62 = tpu.memref_slice %arg10[%mul3A_51, %dma_wait3A_61] : memref<10000x128xf32, #tpu.memory_space<vmem_shared>> -> memref<624x128xf32, #tpu.memory_space<vmem_shared>>
        tpu.wait_dma2 semaphore(%run_scoped3A : memref<!tpu.dma_semaphore, #tpu.memory_space<semaphore_mem>>) src(%dma_wait3A_62 : memref<624x128xf32, #tpu.memory_space<vmem_shared>>) dst(%dma_wait3A_60 : memref<624x128xf32, #tpu.memory_space<hbm>>)
        tpu.yield
      }) : () -> ()
    } else {
    }
    %eq3A_45 = arith.constant 15 : i32
    %eq3A_46 = arith.cmpi eq, %arg1, %eq3A_45 : i32
    %convert_element_type3A_47 = arith.extui %eq3A_46 : i1 to i32
    %cond3A_48 = arith.constant 0 : i32
    %cond3A_49 = arith.cmpi ne, %convert_element_type3A_47, %cond3A_48 : i32
    scf.if %cond3A_49 {
      "tpu.region"() ({
        %run_scoped3A = tpu.sem_alloc : memref<!tpu.dma_semaphore, #tpu.memory_space<semaphore_mem>>
        %dma_start3A_50 = arith.constant 9360 : i32
        %dma_start3A_51 = arith.constant 0 : i32
        %dma_start3A_52 = tpu.memref_slice %arg6[%arg0, %dma_start3A_50, %dma_start3A_51] : memref<2x10000x128xf32, #tpu.memory_space<hbm>> -> memref<1x640x128xf32, #tpu.memory_space<hbm>>
        %dma_start3A_53 = tpu.memref_squeeze %dma_start3A_52 : memref<1x640x128xf32, #tpu.memory_space<hbm>> -> memref<640x128xf32, #tpu.memory_space<hbm>>
        %dma_start3A_54 = arith.constant 9360 : i32
        %dma_start3A_55 = arith.constant 0 : i32
        %dma_start3A_56 = tpu.memref_slice %arg10[%dma_start3A_54, %dma_start3A_55] : memref<10000x128xf32, #tpu.memory_space<vmem_shared>> -> memref<640x128xf32, #tpu.memory_space<vmem_shared>>
        tpu.enqueue_dma source(%dma_start3A_56 : memref<640x128xf32, #tpu.memory_space<vmem_shared>>) target(%dma_start3A_53 : memref<640x128xf32, #tpu.memory_space<hbm>>) target_semaphore(%run_scoped3A : memref<!tpu.dma_semaphore, #tpu.memory_space<semaphore_mem>>)
        %dma_wait3A = arith.constant 9360 : i32
        %dma_wait3A_57 = arith.constant 0 : i32
        %dma_wait3A_58 = tpu.memref_slice %arg6[%arg0, %dma_wait3A, %dma_wait3A_57] : memref<2x10000x128xf32, #tpu.memory_space<hbm>> -> memref<1x640x128xf32, #tpu.memory_space<hbm>>
        %dma_wait3A_59 = tpu.memref_squeeze %dma_wait3A_58 : memref<1x640x128xf32, #tpu.memory_space<hbm>> -> memref<640x128xf32, #tpu.memory_space<hbm>>
        %dma_wait3A_60 = arith.constant 9360 : i32
        %dma_wait3A_61 = arith.constant 0 : i32
        %dma_wait3A_62 = tpu.memref_slice %arg10[%dma_wait3A_60, %dma_wait3A_61] : memref<10000x128xf32, #tpu.memory_space<vmem_shared>> -> memref<640x128xf32, #tpu.memory_space<vmem_shared>>
        tpu.wait_dma2 semaphore(%run_scoped3A : memref<!tpu.dma_semaphore, #tpu.memory_space<semaphore_mem>>) src(%dma_wait3A_62 : memref<640x128xf32, #tpu.memory_space<vmem_shared>>) dst(%dma_wait3A_59 : memref<640x128xf32, #tpu.memory_space<hbm>>)
        tpu.yield
      }) : () -> ()
    } else {
    }
    return
  }
}

module attributes {stable_mosaic.version = 14 : i64} {
  func.func @body(%arg0: i32, %arg1: memref<2x2000x128xf32, #tpu.memory_space<vmem>>, %arg2: memref<2000x128xf32, #tpu.memory_space<vmem>>, %arg3: memref<128x128xf32, #tpu.memory_space<vmem>>, %arg4: memref<128x128xf32, #tpu.memory_space<vmem>>, %arg5: memref<1x128xf32, #tpu.memory_space<vmem>>, %arg6: memref<2000x128xf32, #tpu.memory_space<vmem>>) attributes {dimension_semantics = [#tpu.dimension_semantics<arbitrary>], iteration_bounds = array<i64: 5>, scalar_prefetch = 0 : i64, scratch_operands = 0 : i64, tpu.core_type = #tpu.core_type<tc>, window_params = [{transform_indices = @transform_0, window_bounds = array<i64: 2, 2000, 128>}, {transform_indices = @transform_1, window_bounds = array<i64: 2000, 128>}, {pipeline_mode = #tpu.pipeline_mode<synchronous>, transform_indices = @transform_2, window_bounds = array<i64: 128, 128>}, {pipeline_mode = #tpu.pipeline_mode<synchronous>, transform_indices = @transform_3, window_bounds = array<i64: 128, 128>}, {pipeline_mode = #tpu.pipeline_mode<synchronous>, transform_indices = @transform_4, window_bounds = array<i64: 1, 128>}, {transform_indices = @transform_5, window_bounds = array<i64: 2000, 128>}]} {
    %get3A = arith.constant 0 : index
    %get3A_0 = arith.constant 0 : index
    %get3A_1 = arith.constant 0 : index
    %get3A_2 = vector.load %arg1[%get3A, %get3A_0, %get3A_1] : memref<2x2000x128xf32, #tpu.memory_space<vmem>>, vector<1x2000x128xf32>
    %get3A_3 = vector.shape_cast %get3A_2 : vector<1x2000x128xf32> to vector<2000x128xf32>
    %get3A_4 = arith.constant 1 : index
    %get3A_5 = arith.constant 0 : index
    %get3A_6 = arith.constant 0 : index
    %get3A_7 = vector.load %arg1[%get3A_4, %get3A_5, %get3A_6] : memref<2x2000x128xf32, #tpu.memory_space<vmem>>, vector<1x2000x128xf32>
    %get3A_8 = vector.shape_cast %get3A_7 : vector<1x2000x128xf32> to vector<2000x128xf32>
    %add3A = arith.addf %get3A_3, %get3A_8 : vector<2000x128xf32>
    %get3A_9 = arith.constant 0 : index
    %get3A_10 = arith.constant 0 : index
    %get3A_11 = vector.load %arg3[%get3A_9, %get3A_10] : memref<128x128xf32, #tpu.memory_space<vmem>>, vector<128x128xf32>
    %dot_general3A = arith.constant dense<0.000000e+00> : vector<2000x128xf32>
    %dot_general3A_12 = tpu.matmul %add3A, %get3A_11, %dot_general3A {dimension_numbers = #tpu.dot_dimension_numbers<[1], [1], [0], [0], [0, 0, 1, 0], [], []>, transpose_lhs_hint = false} : vector<2000x128xf32>, vector<128x128xf32>, vector<2000x128xf32> -> vector<2000x128xf32>
    %get3A_13 = arith.constant 0 : index
    %get3A_14 = arith.constant 0 : index
    %get3A_15 = vector.load %arg2[%get3A_13, %get3A_14] : memref<2000x128xf32, #tpu.memory_space<vmem>>, vector<2000x128xf32>
    %get3A_16 = arith.constant 0 : index
    %get3A_17 = arith.constant 0 : index
    %get3A_18 = vector.load %arg4[%get3A_16, %get3A_17] : memref<128x128xf32, #tpu.memory_space<vmem>>, vector<128x128xf32>
    %dot_general3A_19 = arith.constant dense<0.000000e+00> : vector<2000x128xf32>
    %dot_general3A_20 = tpu.matmul %get3A_15, %get3A_18, %dot_general3A_19 {dimension_numbers = #tpu.dot_dimension_numbers<[1], [1], [0], [0], [0, 0, 1, 0], [], []>, transpose_lhs_hint = false} : vector<2000x128xf32>, vector<128x128xf32>, vector<2000x128xf32> -> vector<2000x128xf32>
    %add3A_21 = arith.addf %dot_general3A_12, %dot_general3A_20 : vector<2000x128xf32>
    %get3A_22 = arith.constant 0 : index
    %get3A_23 = arith.constant 0 : index
    %get3A_24 = vector.load %arg5[%get3A_22, %get3A_23] : memref<1x128xf32, #tpu.memory_space<vmem>>, vector<1x128xf32>
    %add3A_25 = vector.broadcast %get3A_24 : vector<1x128xf32> to vector<2000x128xf32>
    %add3A_26 = arith.addf %add3A_21, %add3A_25 : vector<2000x128xf32>
    %max3A = arith.constant 0.000000e+00 : f32
    %max3A_27 = vector.broadcast %max3A : f32 to vector<2000x128xf32>
    %max3A_28 = arith.maximumf %add3A_26, %max3A_27 : vector<2000x128xf32>
    %swap3A = arith.constant 0 : index
    %swap3A_29 = arith.constant 0 : index
    %swap3A_30 = vector.load %arg6[%swap3A, %swap3A_29] : memref<2000x128xf32, #tpu.memory_space<vmem>>, vector<2000x128xf32>
    tpu.vector_store %arg6[%swap3A, %swap3A_29], %max3A_28 {strides = array<i32>} : memref<2000x128xf32, #tpu.memory_space<vmem>>, vector<2000x128xf32>,
    return
  }
  func.func @transform_0(%arg0: i32) -> (i32, i32, i32) {
    %c0_i32 = arith.constant 0 : i32
    %c0_i32_0 = arith.constant 0 : i32
    %c0_i32_1 = arith.constant 0 : i32
    return %c0_i32, %arg0, %c0_i32_0 : i32, i32, i32
  }
  func.func @transform_1(%arg0: i32) -> (i32, i32) {
    %c0_i32 = arith.constant 0 : i32
    %c0_i32_0 = arith.constant 0 : i32
    return %arg0, %c0_i32 : i32, i32
  }
  func.func @transform_2(%arg0: i32) -> (i32, i32) {
    %c0_i32 = arith.constant 0 : i32
    %c0_i32_0 = arith.constant 0 : i32
    %c0_i32_1 = arith.constant 0 : i32
    return %c0_i32, %c0_i32_0 : i32, i32
  }
  func.func @transform_3(%arg0: i32) -> (i32, i32) {
    %c0_i32 = arith.constant 0 : i32
    %c0_i32_0 = arith.constant 0 : i32
    %c0_i32_1 = arith.constant 0 : i32
    return %c0_i32, %c0_i32_0 : i32, i32
  }
  func.func @transform_4(%arg0: i32) -> (i32, i32) {
    %c0_i32 = arith.constant 0 : i32
    %c0_i32_0 = arith.constant 0 : i32
    %c0_i32_1 = arith.constant 0 : i32
    return %c0_i32, %c0_i32_0 : i32, i32
  }
  func.func @transform_5(%arg0: i32) -> (i32, i32) {
    %c0_i32 = arith.constant 0 : i32
    %c0_i32_0 = arith.constant 0 : i32
    return %arg0, %c0_i32 : i32, i32
  }
}

</mosaic_0001>

<sc_bundles>
// kernel: kernel.4.cloned.1.call-start
scs
__scs_entry_jumppad:
0x0: {  	(pc) =	sbr.rel $0x88, $3  }
0x1: {  	(tag) =	ssettag $0x0;
	lr =	simm.s32 $0x1  }
0x2: {  	[smem:$0x3F9C] =	sst lr;
	_ =	strace $0xD0000000  }
0x3: {  	_ = 	snop  }
0x4: {  	_ = 	snop  }
0x5: {  	_ = 	snop  }
0x6: {  	_ = 	snop  }
0x7: {  	_ = 	snop  }
__scs_overlays_trampoline_lowered:
0x8: {  	[smem:$0x3FAB] =	sst s0  }
0x9: {  	[smem:$0x3FAC] =	sst s1  }
0xa: {  	[smem:$0x3FAD] =	sst s2  }
0xb: {  	[smem:$0x3FAE] =	sst s3  }
0xc: {  	[smem:$0x3FAF] =	sst s4  }
0xd: {  	[smem:$0x3FB0] =	sst s5  }
0xe: {  	[smem:$0x3FB1] =	sst s6  }
0xf: {  	[smem:$0x3FB2] =	sst s7  }
0x10: {  	[smem:$0x3FB3] =	sst s8  }
0x11: {  	[smem:$0x3FB4] =	sst s9;
	s0 =	simm.s32 @!p0 $0x0  }
0x12: {  	s1 =	sld [smem:$0x3F9A];
	s0 =	simm.s32 @p0 $0x1  }
0x13: {  	[smem:$0x3FB5] =	sst s0;
	s0 =	simm.s32 @!p1 $0x0  }
0x14: {  	s2 =	sld [smem:$0x3F99];
	s0 =	simm.s32 @p1 $0x1  }
0x15: {  	[smem:$0x3FB6] =	sst s0;
	s0 =	simm.s32 @!p2 $0x0  }
0x16: {  	s3 =	sld [smem:$0x3FDB];
	s0 =	simm.s32 @p2 $0x1  }
0x17: {  	s4 =	simm.s32 $0x1BF5;
	[smem:$0x3FB8] =	sst s0  }
0x18: {  	s0 =	sld [smem:$0x3F9B];
	_ =	swait.ge [sflag:s4], $0x0  }
0x19: {  	s7 =	sld [smem:$0x3F9C]  }
0x1a: {  	s8 =	sadd.s32 $0xFFFFE003, lr  }
0x1b: {  	s9 =	sadd.s32 $0xFFFFFEF7, lr;
	s5 =	simm.s32 $0xFFFFFFFF;
	p2 =	slt.u32 s8, $0xFFFFF086  }
0x1c: {  	p1 =	slt.u32 s9, $0xF7A;
	s5 =	simm.s32 @!p2 $0x0  }
0x1d: {  	s5 =	simm.s32 @p1 $0x1;
	p0 =	seq.s32 s7, s2  }
0x1e: {  	s7 =	smul.u32 @!p0 $0xF7A, s2;
	p2 =	seq.s32 @!p0 s5, $0x0  }
0x1f: {  	s9 =	smul.u32 $0xF7A, s1;
	s8 =	simm.s32 @!p0 $0x1BF5;
	p2 =	por !p2, p0  }
0x20: {  	[sflag:s8] =	ssyncset.s32 @!p0 $0xFFFFF086;
	s6 =	sadd.s32 @!p0 s3, s7;
	s7 =	simm.s32 @!p0 $0x108  }
0x21: {  	s3 =	sadd.s32 s3, s9;
	s6 =	sadd.s32 @!p0 $0x88, s6;
	s7 =	simm.s32 @p2 $0x1082  }
0x22: {  	[simem:s7], [sflag:s8] =	dma.local @!p0 [hbm:s6], $0xF7A  }
0x23: {  	s9 =	sor.u32 $0xD0000000, s2;
	s6 =	simm.s32 $0x108;
	_ =	swait.ge @!p0 [sflag:s8], $0x0  }
0x24: {  	s3 =	sadd.s32 $0x88, s3;
	s6 =	simm.s32 @!p1 $0x1082;
	[sflag:s4] =	ssyncset.s32 $0xFFFFF086  }
0x25: {  	[simem:s6], [sflag:s4] =	dma.local [hbm:s3], $0xF7A  }
0x26: {  	[smem:$0x3F9C] =	sst s1;
	(tag) =	ssettag s2;
	_ =	strace s9  }
0x27: {  	s1 =	sld [smem:$0x3FAC]  }
0x28: {  	s2 =	sld [smem:$0x3FAD]  }
0x29: {  	s4 =	sld [smem:$0x3FAF]  }
0x2a: {  	p0 =	seq.s32 s5, $0x0;
	s5 =	sld [smem:$0x3FB0]  }
0x2b: {  	s6 =	sld [smem:$0x3FB1]  }
0x2c: {  	s7 =	sld [smem:$0x3FB2]  }
0x2d: {  	s3 =	simm.s32 $0x108;
	s8 =	sld [smem:$0x3FB3]  }
0x2e: {  	s3 =	simm.s32 @!p0 $0x1082;
	s9 =	sld [smem:$0x3FB4]  }
0x2f: {  	lr =	sadd.s32 s0, s3;
	s0 =	sld [smem:$0x3FAB]  }
0x30: {  	s3 =	sld [smem:$0x3FAE]  }
0x31: {  	[smem:$0x3FB7] =	sst s10  }
0x32: {  	s10 =	sld [smem:$0x3FB5];
	_ =	sdelay $0x3  }
0x33: {  	p0 =	seq.s32 s10, $0x1;
	s10 =	sld [smem:$0x3FB7];
	_ =	sdelay $0x3  }
0x34: {  	[smem:$0x3FB7] =	sst s10  }
0x35: {  	s10 =	sld [smem:$0x3FB6];
	_ =	sdelay $0x3  }
0x36: {  	p1 =	seq.s32 s10, $0x1;
	s10 =	sld [smem:$0x3FB7];
	_ =	sdelay $0x3  }
0x37: {  	[smem:$0x3FB7] =	sst s10  }
0x38: {  	s10 =	sld [smem:$0x3FB8]  }
0x39: {  	_ = 	snop;
	(pc) =	sbr.ind lr, $3  }
0x3a: {  	_ = 	snop  }
0x3b: {  	_ = 	snop  }
0x3c: {  	p2 =	seq.s32 s10, $0x1;
	s10 =	sld [smem:$0x3FB7]  }
0x3d: {  	_ =	shalt  }
0x3e: {  	_ =	shalt  }
0x3f: {  	_ =	shalt  }
0x40: {  	_ =	shalt  }
0x41: {  	_ =	shalt  }
0x42: {  	_ =	shalt  }
0x43: {  	_ =	shalt  }
0x44: {  	_ =	shalt  }
0x45: {  	_ =	shalt  }
0x46: {  	_ =	shalt  }
0x47: {  	_ =	shalt  }
0x48: {  	_ =	shalt  }
0x49: {  	_ =	shalt  }
0x4a: {  	_ =	shalt  }
0x4b: {  	_ =	shalt  }
0x4c: {  	_ =	shalt  }
0x4d: {  	_ =	shalt  }
0x4e: {  	_ =	shalt  }
0x4f: {  	_ =	shalt  }
0x50: {  	_ =	shalt  }
0x51: {  	_ =	shalt  }
0x52: {  	_ =	shalt  }
0x53: {  	_ =	shalt  }
0x54: {  	_ =	shalt  }
0x55: {  	_ =	shalt  }
0x56: {  	_ =	shalt  }
0x57: {  	_ =	shalt  }
0x58: {  	_ =	shalt  }
0x59: {  	_ =	shalt  }
0x5a: {  	_ =	shalt  }
0x5b: {  	_ =	shalt  }
0x5c: {  	_ =	shalt  }
0x5d: {  	_ =	shalt  }
0x5e: {  	_ =	shalt  }
0x5f: {  	_ =	shalt  }
0x60: {  	_ =	shalt  }
0x61: {  	_ =	shalt  }
0x62: {  	_ =	shalt  }
0x63: {  	_ =	shalt  }
0x64: {  	_ =	shalt  }
0x65: {  	_ =	shalt  }
0x66: {  	_ =	shalt  }
0x67: {  	_ =	shalt  }
0x68: {  	_ =	shalt  }
0x69: {  	_ =	shalt  }
0x6a: {  	_ =	shalt  }
0x6b: {  	_ =	shalt  }
0x6c: {  	_ =	shalt  }
0x6d: {  	_ =	shalt  }
0x6e: {  	_ =	shalt  }
0x6f: {  	_ =	shalt  }
0x70: {  	_ =	shalt  }
0x71: {  	_ =	shalt  }
0x72: {  	_ =	shalt  }
0x73: {  	_ =	shalt  }
0x74: {  	_ =	shalt  }
0x75: {  	_ =	shalt  }
0x76: {  	_ =	shalt  }
0x77: {  	_ =	shalt  }
0x78: {  	_ =	shalt  }
0x79: {  	_ =	shalt  }
0x7a: {  	_ =	shalt  }
0x7b: {  	_ =	shalt  }
0x7c: {  	_ =	shalt  }
0x7d: {  	_ =	shalt  }
0x7e: {  	_ =	shalt  }
0x7f: {  	_ =	shalt  }
0x80: {  	_ =	shalt  }
0x81: {  	_ =	shalt  }
0x82: {  	_ =	shalt  }
0x83: {  	_ =	shalt  }
0x84: {  	_ =	shalt  }
0x85: {  	_ =	shalt  }
0x86: {  	_ =	shalt  }
0x87: {  	_ =	shalt  }
.Lfunc_end0:
.L_simem_size_0:
called_computation_lowered:
.L_overlay_start_0:
0x88: {  	s2 =	sld [smem:$0x3FD9]  }
0x89: {  	s3 =	sld [smem:$0x3FFE];
	_ =	sdelay $0x1  }
0x8a: {  	s1 =	srdreg.scid  }
0x8b: {  	s0 =	sand.u32 $0x1, s1  }
0x8c: {  	s17 =	sshll.u32 s0, $0xA;
	s2 =	sadd.s32 s3, s2  }
0x8d: {  	s2 =	sadd.s32 s2, s17  }
0x8e: {  	[smem:$0x3FC3] =	sst s2  }
0x8f: {  	_ = 	snop  }
0x90: {  	s2 =	sld [smem:$0x3FC9]  }
0x91: {  	s18 =	sld [smem:$0x3FD0];
	(tm) =	ssettm $0x1  }
0x92: {  	s4 =	sld [smem:$0x3FFB];
	_ =	sdelay $0x3  }
0x93: {  	_ =	strace s4  }
0x94: {  	s4 =	sld [smem:$0x3FFC];
	_ =	sdelay $0x3  }
0x95: {  	_ =	strace s4  }
0x96: {  	s4 =	sld [smem:$0x3FFD];
	_ =	sdelay $0x3  }
0x97: {  	_ =	strace s4  }
0x98: {  	_ =	strace $0x8FFFFFFF  }
0x99: {  	s19 =	sld [smem:$0x3FDB];
	_ =	sdelay $0x1  }
0x9a: {  	s5 =	simm.s32 $_scs_section_size  }
0x9b: {  	s6 =	simm.s32 $_size__tile_overlayer_lowered;
	s7 =	simm.s32 $_tile_overlayer_lowered  }
0x9c: {  	s22 =	simm.s32 $0x1BFF;
	s21 =	sshll.u32 s7, $0x1;
	s4 =	sadd.s32 s5, s19  }
0x9d: {  	s8 =	simm.s32 $0x0;
	s20 =	sshll.u32 s6, $0x1;
	s6 =	sadd.s32 s21, s4  }
0x9e: {  	[timem:s8], [sflag:s22] =	dma.local [hbm:s6], s20  }
0x9f: {  	_ =	swait.ge [sflag:s22], s20  }
0xa0: {  	s5 =	ssub.s32 $0x0, s20;
	[sflag:s22] =	ssyncset.done $0x0  }
0xa1: {  	[sflag:s22] =	ssyncadd.s32 s5;
	_ =	sdelay $0x1  }
0xa2: {  	s23 =	simm.s32 $0x1B8B  }
0xa3: {  	_ =	swait.ge [sflag:s23], $0x1  }
0xa4: {  	[sflag:s23] =	ssyncset.done $0x0  }
0xa5: {  	s25 =	simm.s32 $0x1B8E;
	s24 =	sld [smem:$0x3FFE];
	[sflag:s23] =	ssyncadd.s32 $0xFFFFFFFF  }
0xa6: {  	s26 =	simm.s32 $execute0_lowered;
	[smem:$0x3FD2] =	sst s25  }
0xa7: {  	s6 =	sshll.u32 s26, $0x1;
	_ =	strace $0x80000046;
	[dreg:$0x1] =	wrdreg $0xFFFFFFFF  }
0xa8: {  	s28 =	simm.s32 $_size_execute0_lowered;
	s4 =	sadd.s32 s4, s6;
	[dreg:$0x0] =	wrdreg $0x0  }
0xa9: {  	s6 =	sshll.u32 s28, $0x1;
	[dreg:$0x2] =	wrdreg s4  }
0xaa: {  	[dreg:$0x3] =	wrdreg s6  }
0xab: {  	[dreg:$0x4] =	wrdreg $0xC0  }
0xac: {  	_ =	task [dreg:s8], $0x5FFFF  }
0xad: {  	[dreg:$0x1] =	wrdreg $0xFFFFFFFF  }
0xae: {  	[dreg:$0x0] =	wrdreg $0x60  }
0xaf: {  	[dreg:$0x2] =	wrdreg s2  }
0xb0: {  	[dreg:$0x3] =	wrdreg s18  }
0xb1: {  	[dreg:$0x4] =	wrdreg s24  }
0xb2: {  	[dreg:$0x5] =	wrdreg $0xBC000  }
0xb3: {  	[dreg:$0x6] =	wrdreg $0x9  }
0xb4: {  	_ =	task.clear_ibuf [dreg:s8], $0x7FFFF;
	_ =	strace $0x90000046  }
0xb5: {  	s29 =	simm.s32 $0x9;
	_ =	strace $0x80000048  }
0xb6: {  	_ =	swait.ge [sflag:s29], $0x1  }
0xb7: {  	[sflag:s29] =	ssyncadd.s32 $0xFFFFFFFF  }
0xb8: {  	_ =	strace $0x90000048  }
0xb9: {  	_ =	sfence  }
0xba: {  	s30 =	sld [smem:$0x0];
	_ =	sdelay $0x2  }
0xbb: {  	s31 =	sshll.u32 s1, $0xD;
	s1 =	sshrl.u32 s1, $0x2  }
0xbc: {  	s3 =	sand.u32 $0x4000, s31;
	s1 =	sadd.s32 s1, s30  }
0xbd: {  	s0 =	sor.u32 s3, s0;
	s1 =	sshll.u32 s1, $0x11  }
0xbe: {  	s0 =	sor.u32 s1, s0  }
0xbf: {  	s0 =	sadd.s32 $0x8F2B, s0  }
0xc0: {  	[sflag:s0] =	ssyncadd.remote.s32 $0x1  }
0xc1: {  	_ =	sfence.sel $0xFFFF  }
0xc2: {  	[dreg:$0x0] =	wrdreg $0xFFFFFFFF;
	(pc) =	sbr.abs _section_cstart, $3  }
0xc3: {  	[dreg:$0x1] =	wrdreg $0xFFFFFFFF  }
0xc4: {  	_ =	task.clear_ibuf [dreg:s8], $0x2FFFF;
	_ =	strace $0x9FFFFFFF  }
0xc5: {  	(tm) =	ssettm $0x7FFFFFFF  }
tec
execute0_lowered:
.L_overlay_start_1:
0x0: {  	(tag) =	ssettag $0x1  }
0x1: {  	s1 =	rddreg [dreg:$0x0]  }
0x2: {  	s0 =	rddreg [dreg:$0x1]  }
0x3: {  	s2 =	rddreg [dreg:$0x2]  }
0x4: {  	s3 =	rddreg [dreg:$0x3];
	s4 =	simm.s32 $0x0;
	s5 =	srdreg.scid  }
0x5: {  	s17 =	stileid.u32;
	s18 =	simm.s32 $0x80;
	s19 =	simm.s32 $0x3C00  }
0x6: {  	s20 =	simm.s32 $0x7C00;
	s28 =	simm.s32 $0x0;
	[smem:$0x7FF] =	sst s4  }
0x7: {  	s7 =	sand.u32 $0x1, s5;
	s21 =	sshll.u32 s17, $0x1;
	s8 =	smul.u32 $0x4E000, s17  }
0x8: {  	s9 =	sadd.s32 $0x1600, s2;
	s5 =	sadd.s32 $0xB600, s2;
	s16 =	smul.u32 $0x13800, s17  }
0x9: {  	s14 =	sadd.s32 $0x124800, s3;
	s23 =	sor.u32 s7, s21;
	s13 =	smul.u32 $0x138800, s7  }
0xa: {  	s2 =	sadd.s32 $0xDE00, s2;
	_ =	strace $0x80000047;
	s24 =	smul.u32 $0xFFFFFFB0, s23  }
0xb: {  	s6 =	ssub.s32 $0x2, s7;
	s21 =	simm.s32 $0x1;
	s11 =	smul.u32 $0x500, s23  }
0xc: {  	s10 =	sshrl.u32 s6, $0x1;
	s22 =	smul.u32 $0x2800, s23;
	s8 =	sshrl.u32 s8, $0x2  }
0xd: {  	p1 =	seq.s32 s23, $0x1F;
	s12 =	ssub.s32 s6, s10;
	s15 =	sadd.s32 s8, s3  }
0xe: {  	s29 =	sadd.s32 s16, s13;
	s30 =	sshrl.u32 s13, $0x3;
	s16 =	simm.s32 $0x3  }
0xf: {  	p0 =	slt.s32 s24, $0xFFFFF68C;
	s0 =	sadd.s32 s0, s11;
	s25 =	sadd.s32 s9, s11  }
0x10: {  	s26 =	sshrl.u32 s22, $0x3;
	s31 =	sshrl.u32 s29, $0x3;
	s11 =	sadd.s32 s2, s30  }
0x11: {  	s12 =	smax.u32 s12, $0x1;
	[dreg:$0x5] =	wrdreg s0;
	s0 =	sadd.s32 s9, s26  }
0x12: {  	s22 =	simm.s32 $0x2;
	s24 =	simm.s32 @!p0 $0xFFFFF68C;
	s0 =	sadd.s32 $0x280, s0  }
0x13: {  	p0 =	seq.s32 s17, $0xF;
	[dreg:$0x7] =	wrdreg s0;
	s0 =	sadd.s32 s2, s31  }
0x14: {  	p3 =	slt.u32 s24, $0xFFFFF667;
	[dreg:$0x8] =	wrdreg s0;
	s0 =	sshll.u32 @!p0 s17, $0x6  }
0x15: {  	s13 =	sshrl.u32 @p0 s14, $0x3;
	s14 =	sor.u32 @!p0 $0x1C03, s0;
	s0 =	simm.s32 @!p3 $0x0  }
0x16: {  	[dreg:$0x6] =	wrdreg s25;
	s0 =	simm.s32 @p3 $0x1;
	p3 =	slt.u32 s24, $0xFFFFF665  }
0x17: {  	s11 =	sadd.s32 $0x24900, s11;
	[smem:$0x7FC] =	sst s0;
	s0 =	simm.s32 @!p3 $0x0  }
0x18: {  	s6 =	sadd.s32 $0x9C4, s24;
	s15 =	sshrl.u32 @!p0 s15, $0x3;
	s0 =	simm.s32 @p3 $0x1  }
0x19: {  	p2 =	slt.u32 s24, $0xFFFFF666;
	s17 =	simm.s32 $0x2800;
	[smem:$0x7FD] =	sst s0  }
.LBB2_1:
0x1a: {  	s0 =	simm.s32 @p0 $0x1FC3  }
0x1b: {  	[spmem:s13], [sflag:s0] =	dma.local @p0 [hbm:s5], $0x2800  }
0x1c: {  	s0 =	simm.s32 @p0 $0x3  }
0x1d: {  	_ =	swait.ge @p0 [sflag:s0], $0x2800  }
0x1e: {  	[sflag:s0] =	ssyncset.done @p0 $0x0  }
0x1f: {  	[sflag:s0] =	ssyncadd.s32 @p0 $0xFFFFD800;
	s0 =	simm.s32 @!p0 $0x3  }
0x20: {  	[spmem:s15], [sflag:s14] =	dma.local @!p0 [hbm:s5], $0x2700  }
0x21: {  	_ =	swait.ge @!p0 [sflag:s0], $0x2700  }
0x22: {  	[sflag:s0] =	ssyncset.done @!p0 $0x0  }
0x23: {  	s23 =	rddreg [dreg:$0x5];
	[sflag:s0] =	ssyncadd.s32 @!p0 $0xFFFFD900  }
0x24: {  	[tilespmem:s4], [sflag:$0x3] =	stream.linear.gather [hbm4b:s23+s4], $0x2800, $0x38;
	[tilespmem:$0x1F480] =	vst v63  }
0x25: {  	_ =	swait.ge [sflag:s16], $0x2800  }
0x26: {  	[sflag:s16] =	ssyncset.done $0x0  }
0x27: {  	s24 =	rddreg [dreg:$0x6];
	[sflag:s16] =	ssyncadd.s32 $0xFFFFD800  }
0x28: {  	[tilespmem:s17], [sflag:$0x3] =	stream.linear.gather [hbm4b:s24+s4], $0x1400, $0x38;
	[tilespmem:$0x1F480] =	vst v63  }
0x29: {  	_ =	swait.ge [sflag:s16], $0x1400  }
0x2a: {  	[sflag:s16] =	ssyncset.done $0x0  }
0x2b: {  	[sflag:s16] =	ssyncadd.s32 $0xFFFFEC00  }
0x2c: {  	[bflag:$0x0] =	sbarrier.arrive $0xFFFF  }
0x2d: {  	[tilespmem:s19], [sflag:$0x1] =	stream.indirect.gather [hbm4b:s1+s18], $0x80, s4, s18, $0xb8;
	[tilespmem:$0x1F480] =	vst v63  }
0x2e: {  	_ = 	snop  }
0x2f: {  	[tilespmem:s20], [sflag:$0x1] =	stream.indirect.gather [hbm4b:s1+s18], $0x80, s18, s18, $0xb8;
	[tilespmem:$0x1F480] =	vst v63  }
0x30: {  	_ =	swait.ge [sflag:s21], $0x4000  }
0x31: {  	[sflag:s21] =	ssyncset.done $0x0  }
0x32: {  	[sflag:s21] =	ssyncadd.s32 $0xFFFFC000  }
0x33: {  	[spmem:s3] =	stream.indirect.scatter.add.f32 [tilespmem:s19], [sflag:$0x2], $0x80, s17, s18, $0xb8;
	[tilespmem:$0x1F480] =	vst v63  }
0x34: {  	_ =	swait.ge [sflag:s22], $0x4000  }
0x35: {  	[sflag:s22] =	ssyncset.done $0x0  }
0x36: {  	s25 =	simm.s32 $0x100;
	[sflag:s22] =	ssyncadd.s32 $0xFFFFC000  }
0x37: {  	[tilespmem:s19], [sflag:$0x1] =	stream.indirect.gather [hbm4b:s1+s18], $0x80, s25, s18, $0xb8;
	[tilespmem:$0x1F480] =	vst v63  }
0x38: {  	_ =	swait.ge [sflag:s21], $0x4000  }
0x39: {  	p3 =	slt.u32 s6, $0x2;
	[sflag:s21] =	ssyncset.done $0x0  }
0x3a: {  	s26 =	simm.s32 $0x2880;
	s0 =	simm.s32 @!p3 $0x2;
	[sflag:s21] =	ssyncadd.s32 $0xFFFFC000  }
0x3b: {  	[spmem:s3] =	stream.indirect.scatter.add.f32 [tilespmem:s20], [sflag:$0x2], $0x80, s26, s18, $0xb8;
	[tilespmem:$0x1F480] =	vst v63  }
0x3c: {  	p5 =	sle.u32 s6, $0x3;
	_ =	swait.ge @!p3 [sflag:s0], $0x4000  }
0x3d: {  	p4 =	sle.u32 s6, $0x2;
	s30 =	simm.s32 @!p5 $0x80;
	[sflag:s0] =	ssyncset.done @!p3 $0x0  }
0x3e: {  	s2 =	simm.s32 @!p5 $0x180;
	[sflag:s0] =	ssyncadd.s32 @!p3 $0xFFFFC000;
	s0 =	simm.s32 @!p5 $0x7C00  }
0x3f: {  	[tilespmem:s0], [sflag:$0x1] =	stream.indirect.gather @!p5 [hbm4b:s1+s30], $0x80, s2, s30, $0xb8;
	[tilespmem:$0x1F480] =	vst v63  }
0x40: {  	s2 =	simm.s32 @!p4 $0x1  }
0x41: {  	s29 =	simm.s32 $0x400;
	_ =	swait.ge @!p4 [sflag:s2], $0x4000  }
0x42: {  	s23 =	simm.s32 @!p4 $0x2900;
	s24 =	simm.s32 @!p4 $0x80;
	[sflag:s2] =	ssyncset.done @!p4 $0x0  }
0x43: {  	s25 =	simm.s32 @!p4 $0x3C00;
	[sflag:s2] =	ssyncadd.s32 @!p4 $0xFFFFC000;
	s2 =	simm.s32 @!p4 $0x2  }
0x44: {  	[spmem:s3] =	stream.indirect.scatter.add.f32 @!p4 [tilespmem:s25], [sflag:$0x2], $0x80, s23, s24, $0xb8;
	[tilespmem:$0x1F480] =	vst v63  }
0x45: {  	s31 =	simm.s32 $0x6;
	p3 =	sle.u32 s6, $0x4;
	_ =	swait.ge @!p4 [sflag:s2], $0x4000  }
0x46: {  	s26 =	simm.s32 @!p3 $0x80;
	s23 =	simm.s32 @!p3 $0x3C00;
	[sflag:s2] =	ssyncset.done @!p4 $0x0  }
0x47: {  	s25 =	simm.s32 @!p3 $0x200;
	s24 =	simm.s32 @!p5 $0x1;
	[sflag:s2] =	ssyncadd.s32 @!p4 $0xFFFFC000  }
0x48: {  	[tilespmem:s23], [sflag:$0x1] =	stream.indirect.gather @!p3 [hbm4b:s1+s26], $0x80, s25, s26, $0xb8;
	[tilespmem:$0x1F480] =	vst v63  }
0x49: {  	s2 =	simm.s32 $0x800;
	s23 =	simm.s32 $0x4;
	_ =	swait.ge @!p5 [sflag:s24], $0x4000  }
0x4a: {  	s25 =	simm.s32 @!p5 $0x2980;
	s26 =	simm.s32 $0x8;
	[sflag:s24] =	ssyncset.done @!p5 $0x0  }
.LBB2_2:
0x4b: {  	s7 =	sadd.s32 $0xFFFFFFFE, s26  }
0x4c: {  	p4 =	sgt.u32 s23, s6;
	[sflag:s24] =	ssyncadd.s32 @!p5 $0xFFFFC000;
	s8 =	smov.u32 s2  }
0x4d: {  	[spmem:s3] =	stream.indirect.scatter.add.f32 @!p5 [tilespmem:s0], [sflag:$0x2], $0x80, s25, s30, $0xb8;
	[tilespmem:$0x1F480] =	vst v63  }
0x4e: {  	s2 =	sadd.s32 $0x400, s2;
	s0 =	sadd.s32 $0xFFFFFFFF, s31;
	s24 =	simm.s32 @!p4 $0x2  }
0x4f: {  	p6 =	sge.u32 s23, s6;
	p5 =	sge.u32 s0, s6;
	_ =	swait.ge @!p4 [sflag:s24], $0x4000  }
0x50: {  	s23 =	sshra.s32 @!p5 s29, $0x2;
	s30 =	simm.s32 @!p5 $0x80;
	[sflag:s24] =	ssyncset.done @!p4 $0x0  }
0x51: {  	s0 =	simm.s32 @!p5 $0x7C00;
	[sflag:s24] =	ssyncadd.s32 @!p4 $0xFFFFC000;
	s24 =	sadd.s32 @!p5 $0x180, s23  }
0x52: {  	[tilespmem:s0], [sflag:$0x1] =	stream.indirect.gather @!p5 [hbm4b:s1+s30], $0x80, s24, s30, $0xb8;
	[tilespmem:$0x1F480] =	vst v63  }
0x53: {  	s9 =	sshra.s32 @!p6 s29, $0x2;
	s25 =	sadd.s32 @!p5 $0x2980, s23;
	s24 =	simm.s32 @!p6 $0x1  }
0x54: {  	s9 =	sadd.s32 @!p6 $0x2900, s9;
	p4 =	sne.s32 s2, $0x4C00;
	_ =	swait.ge @!p6 [sflag:s24], $0x4000  }
0x55: {  	s10 =	simm.s32 @!p6 $0x3C00;
	s23 =	simm.s32 @!p6 $0x80;
	[sflag:s24] =	ssyncset.done @!p6 $0x0  }
0x56: {  	p3 =	sge.u32 s31, s6;
	[sflag:s24] =	ssyncadd.s32 @!p6 $0xFFFFC000;
	s24 =	simm.s32 @!p6 $0x2  }
0x57: {  	[spmem:s3] =	stream.indirect.scatter.add.f32 @!p6 [tilespmem:s10], [sflag:$0x2], $0x80, s9, s23, $0xb8;
	[tilespmem:$0x1F480] =	vst v63  }
0x58: {  	s9 =	sshra.s32 @!p3 s29, $0x2  }
0x59: {  	s10 =	simm.s32 @!p3 $0x3C00;
	s29 =	simm.s32 @!p3 $0x80;
	_ =	swait.ge @!p6 [sflag:s24], $0x4000  }
.Ltmp0:
0x5a: {  	s9 =	sadd.s32 @!p3 $0x200, s9;
	[sflag:s24] =	ssyncset.done @!p6 $0x0;
	(pc) =	sbr.rel @p4 .LBB2_2-.Ltmp0, $4  }
0x5b: {  	s23 =	smov.u32 s7;
	[sflag:s24] =	ssyncadd.s32 @!p6 $0xFFFFC000;
	s24 =	simm.s32 @!p5 $0x1  }
0x5c: {  	[tilespmem:s10], [sflag:$0x1] =	stream.indirect.gather @!p3 [hbm4b:s1+s29], $0x80, s9, s29, $0xb8;
	[tilespmem:$0x1F480] =	vst v63  }
0x5d: {  	s31 =	smov.u32 s26;
	s29 =	smov.u32 s8;
	_ =	swait.ge @!p5 [sflag:s24], $0x4000  }
0x5e: {  	s26 =	sadd.s32 $0x2, s26;
	[sflag:s24] =	ssyncset.done @!p5 $0x0  }
0x5f: {  	p3 =	sgt.u32 s23, s6;
	[sflag:s24] =	ssyncadd.s32 @!p5 $0xFFFFC000  }
0x60: {  	[spmem:s3] =	stream.indirect.scatter.add.f32 @!p5 [tilespmem:s0], [sflag:$0x2], $0x80, s25, s30, $0xb8;
	[tilespmem:$0x1F480] =	vst v63  }
0x61: {  	s30 =	sadd.s32 $0xFFFFFFFF, s31;
	s2 =	simm.s32 @!p3 $0x2  }
0x62: {  	p5 =	sge.u32 s23, s6;
	_ =	swait.ge @!p3 [sflag:s2], $0x4000;
	p4 =	sge.u32 s30, s6  }
0x63: {  	[sflag:s2] =	ssyncset.done @!p3 $0x0;
	s0 =	sshra.s32 @!p4 s29, $0x2;
	s7 =	simm.s32 @!p4 $0x80  }
0x64: {  	s8 =	simm.s32 @!p4 $0x7C00;
	[sflag:s2] =	ssyncadd.s32 @!p3 $0xFFFFC000;
	s2 =	sadd.s32 @!p4 $0x180, s0  }
0x65: {  	[tilespmem:s8], [sflag:$0x1] =	stream.indirect.gather @!p4 [hbm4b:s1+s7], $0x80, s2, s7, $0xb8;
	[tilespmem:$0x1F480] =	vst v63  }
0x66: {  	s2 =	simm.s32 @!p5 $0x1  }
0x67: {  	s9 =	sshra.s32 @!p5 s29, $0x2;
	s10 =	simm.s32 @!p5 $0x80;
	_ =	swait.ge @!p5 [sflag:s2], $0x4000  }
0x68: {  	s23 =	simm.s32 @!p5 $0x3C00;
	s9 =	sadd.s32 @!p5 $0x2900, s9;
	[sflag:s2] =	ssyncset.done @!p5 $0x0  }
0x69: {  	p3 =	sge.u32 s31, s6;
	[sflag:s2] =	ssyncadd.s32 @!p5 $0xFFFFC000;
	s2 =	simm.s32 @!p5 $0x2  }
0x6a: {  	[spmem:s3] =	stream.indirect.scatter.add.f32 @!p5 [tilespmem:s23], [sflag:$0x2], $0x80, s9, s10, $0xb8;
	[tilespmem:$0x1F480] =	vst v63  }
0x6b: {  	s9 =	sshra.s32 @!p3 s29, $0x2;
	_ =	swait.ge @!p5 [sflag:s2], $0x4000  }
0x6c: {  	s10 =	simm.s32 @!p3 $0x3C00;
	s23 =	simm.s32 @!p3 $0x80;
	[sflag:s2] =	ssyncset.done @!p5 $0x0  }
0x6d: {  	s9 =	sadd.s32 @!p3 $0x200, s9;
	[sflag:s2] =	ssyncadd.s32 @!p5 $0xFFFFC000;
	s2 =	simm.s32 @!p4 $0x1  }
0x6e: {  	[tilespmem:s10], [sflag:$0x1] =	stream.indirect.gather @!p3 [hbm4b:s1+s23], $0x80, s9, s23, $0xb8;
	[tilespmem:$0x1F480] =	vst v63  }
0x6f: {  	_ =	swait.ge @!p4 [sflag:s2], $0x4000  }
0x70: {  	[sflag:s2] =	ssyncset.done @!p4 $0x0  }
0x71: {  	s0 =	sadd.s32 @!p4 $0x2980, s0;
	[sflag:s2] =	ssyncadd.s32 @!p4 $0xFFFFC000  }
0x72: {  	[spmem:s3] =	stream.indirect.scatter.add.f32 @!p4 [tilespmem:s8], [sflag:$0x2], $0x80, s0, s7, $0xb8;
	[tilespmem:$0x1F480] =	vst v63  }
0x73: {  	s0 =	simm.s32 @!p1 $0x2  }
0x74: {  	_ =	swait.ge @!p1 [sflag:s0], $0x4000  }
0x75: {  	[sflag:s0] =	ssyncset.done @!p1 $0x0  }
.Ltmp1:
0x76: {  	s31 =	rddreg [dreg:$0x7];
	[sflag:s0] =	ssyncadd.s32 @!p1 $0xFFFFC000;
	(pc) =	sbr.rel @p2 .LBB2_5-.Ltmp1, $4  }
0x77: {  	[tilespmem:s17], [sflag:$0x3] =	stream.linear.gather [hbm4b:s31+s4], $0x1400, $0x38;
	[tilespmem:$0x1F480] =	vst v63  }
0x78: {  	_ =	swait.ge [sflag:s16], $0x1400  }
0x79: {  	[sflag:s16] =	ssyncset.done $0x0  }
0x7a: {  	[sflag:s16] =	ssyncadd.s32 $0xFFFFEC00  }
.Ltmp2:
0x7b: {  	(pc) =	sbr.rel .LBB2_6-.Ltmp2, $3  }
0x7c: {  	_ =	sdelay $0x1  }
0x7d: {  	s0 =	simm.s32 $0x1480  }
0x7e: {  	[tilespmem:s20], [sflag:$0x1] =	stream.indirect.gather [hbm4b:s1+s18], $0x80, s0, s18, $0xb8;
	[tilespmem:$0x1F480] =	vst v63  }
.LBB2_5:
0x7f: {  	s0 =	sld [smem:$0x7FD];
	_ =	sdelay $0x2  }
0x80: {  	p3 =	seq.s32 s0, $0x1  }
.Ltmp3:
0x81: {  	_ = 	snop;
	(pc) =	sbr.rel @p3 .LBB2_10-.Ltmp3, $1  }
0x82: {  	_ =	sdelay $0x3  }
.LBB2_6:
0x83: {  	_ =	swait.ge [sflag:s21], $0x4000  }
0x84: {  	[sflag:s21] =	ssyncset.done $0x0  }
0x85: {  	[sflag:s21] =	ssyncadd.s32 $0xFFFFC000  }
0x86: {  	[spmem:s3] =	stream.indirect.scatter.add.f32 [tilespmem:s19], [sflag:$0x2], $0x80, s17, s18, $0xb8;
	[tilespmem:$0x1F480] =	vst v63  }
0x87: {  	_ =	swait.ge [sflag:s22], $0x4000  }
0x88: {  	s0 =	sld [smem:$0x7FC];
	_ =	sdelay $0x2  }
0x89: {  	p3 =	seq.s32 s0, $0x1  }
.Ltmp4:
0x8a: {  	_ = 	snop;
	(pc) =	sbr.rel @p3 .LBB2_8-.Ltmp4, $3  }
0x8b: {  	_ =	sdelay $0x1  }
0x8c: {  	[sflag:s22] =	ssyncset.done $0x0  }
0x8d: {  	[sflag:s22] =	ssyncadd.s32 $0xFFFFC000  }
.Ltmp5:
0x8e: {  	(pc) =	sbr.rel .LBB2_9-.Ltmp5, $3  }
0x8f: {  	_ =	sdelay $0x1  }
0x90: {  	s0 =	simm.s32 $0x1500  }
0x91: {  	[tilespmem:s19], [sflag:$0x1] =	stream.indirect.gather [hbm4b:s1+s18], $0x80, s0, s18, $0xb8;
	[tilespmem:$0x1F480] =	vst v63  }
.LBB2_8:
.Ltmp6:
0x92: {  	(pc) =	sbr.rel @p2 .LBB2_10-.Ltmp6, $1  }
0x93: {  	_ =	sdelay $0x3  }
.LBB2_9:
0x94: {  	_ =	swait.ge [sflag:s21], $0x4000  }
0x95: {  	[sflag:s21] =	ssyncset.done $0x0  }
0x96: {  	s0 =	simm.s32 $0x2880;
	[sflag:s21] =	ssyncadd.s32 $0xFFFFC000  }
0x97: {  	[spmem:s3] =	stream.indirect.scatter.add.f32 [tilespmem:s20], [sflag:$0x2], $0x80, s0, s18, $0xb8;
	[tilespmem:$0x1F480] =	vst v63  }
.LBB2_10:
0x98: {  	p3 =	slt.u32 s6, $0x2A  }
0x99: {  	s0 =	simm.s32 @!p3 $0x2  }
0x9a: {  	p5 =	sle.u32 s6, $0x2B;
	_ =	swait.ge @!p3 [sflag:s0], $0x4000  }
0x9b: {  	p4 =	sle.u32 s6, $0x2A;
	s30 =	simm.s32 @!p5 $0x80;
	[sflag:s0] =	ssyncset.done @!p3 $0x0  }
0x9c: {  	s2 =	simm.s32 @!p5 $0x1580;
	[sflag:s0] =	ssyncadd.s32 @!p3 $0xFFFFC000;
	s0 =	simm.s32 @!p5 $0x7C00  }
0x9d: {  	[tilespmem:s0], [sflag:$0x1] =	stream.indirect.gather @!p5 [hbm4b:s1+s30], $0x80, s2, s30, $0xb8;
	[tilespmem:$0x1F480] =	vst v63  }
0x9e: {  	s2 =	simm.s32 @!p4 $0x1  }
0x9f: {  	s29 =	simm.s32 $0x400;
	_ =	swait.ge @!p4 [sflag:s2], $0x4000  }
0xa0: {  	s7 =	simm.s32 @!p4 $0x2900;
	s8 =	simm.s32 @!p4 $0x80;
	[sflag:s2] =	ssyncset.done @!p4 $0x0  }
0xa1: {  	s9 =	simm.s32 @!p4 $0x3C00;
	[sflag:s2] =	ssyncadd.s32 @!p4 $0xFFFFC000;
	s2 =	simm.s32 @!p4 $0x2  }
0xa2: {  	[spmem:s3] =	stream.indirect.scatter.add.f32 @!p4 [tilespmem:s9], [sflag:$0x2], $0x80, s7, s8, $0xb8;
	[tilespmem:$0x1F480] =	vst v63  }
0xa3: {  	s31 =	simm.s32 $0x2E;
	p3 =	sle.u32 s6, $0x2C;
	_ =	swait.ge @!p4 [sflag:s2], $0x4000  }
0xa4: {  	s24 =	simm.s32 @!p5 $0x1;
	s7 =	simm.s32 @!p3 $0x3C00;
	[sflag:s2] =	ssyncset.done @!p4 $0x0  }
0xa5: {  	s8 =	simm.s32 @!p3 $0x1600;
	s9 =	simm.s32 @!p3 $0x80;
	[sflag:s2] =	ssyncadd.s32 @!p4 $0xFFFFC000  }
0xa6: {  	[tilespmem:s7], [sflag:$0x1] =	stream.indirect.gather @!p3 [hbm4b:s1+s9], $0x80, s8, s9, $0xb8;
	[tilespmem:$0x1F480] =	vst v63  }
0xa7: {  	s23 =	simm.s32 $0x2C;
	s26 =	simm.s32 $0x30;
	_ =	swait.ge @!p5 [sflag:s24], $0x4000  }
0xa8: {  	s25 =	simm.s32 @!p5 $0x2980;
	s2 =	simm.s32 $0x800;
	[sflag:s24] =	ssyncset.done @!p5 $0x0  }
.LBB2_11:
0xa9: {  	s7 =	sadd.s32 $0xFFFFFFFE, s26;
	p4 =	sgt.u32 s23, s6  }
0xaa: {  	[sflag:s24] =	ssyncadd.s32 @!p5 $0xFFFFC000;
	s8 =	smov.u32 s2;
	s2 =	sadd.s32 $0x400, s2  }
0xab: {  	[spmem:s3] =	stream.indirect.scatter.add.f32 @!p5 [tilespmem:s0], [sflag:$0x2], $0x80, s25, s30, $0xb8;
	[tilespmem:$0x1F480] =	vst v63  }
0xac: {  	p6 =	sge.u32 s23, s6;
	s0 =	sadd.s32 $0xFFFFFFFF, s31;
	s9 =	simm.s32 @!p4 $0x2  }
0xad: {  	p3 =	sge.u32 s31, s6;
	p5 =	sge.u32 s0, s6;
	_ =	swait.ge @!p4 [sflag:s9], $0x4000  }
0xae: {  	s10 =	sshra.s32 @!p5 s29, $0x2;
	s30 =	simm.s32 @!p5 $0x80;
	[sflag:s9] =	ssyncset.done @!p4 $0x0  }
0xaf: {  	s0 =	simm.s32 @!p5 $0x7C00;
	[sflag:s9] =	ssyncadd.s32 @!p4 $0xFFFFC000;
	s9 =	sadd.s32 @!p5 $0x1580, s10  }
0xb0: {  	[tilespmem:s0], [sflag:$0x1] =	stream.indirect.gather @!p5 [hbm4b:s1+s30], $0x80, s9, s30, $0xb8;
	[tilespmem:$0x1F480] =	vst v63  }
0xb1: {  	s23 =	sshra.s32 @!p6 s29, $0x2;
	s25 =	sadd.s32 @!p5 $0x2980, s10;
	s9 =	simm.s32 @!p6 $0x1  }
0xb2: {  	p4 =	sne.s32 s2, $0x5400;
	s10 =	sadd.s32 @!p6 $0x2900, s23;
	_ =	swait.ge @!p6 [sflag:s9], $0x4000  }
0xb3: {  	s24 =	simm.s32 @!p6 $0x3C00;
	s23 =	simm.s32 @!p6 $0x80;
	[sflag:s9] =	ssyncset.done @!p6 $0x0  }
0xb4: {  	s31 =	simm.s32 @!p3 $0x80;
	[sflag:s9] =	ssyncadd.s32 @!p6 $0xFFFFC000;
	s9 =	simm.s32 @!p6 $0x2  }
0xb5: {  	[spmem:s3] =	stream.indirect.scatter.add.f32 @!p6 [tilespmem:s24], [sflag:$0x2], $0x80, s10, s23, $0xb8;
	[tilespmem:$0x1F480] =	vst v63  }
0xb6: {  	s10 =	sshra.s32 @!p3 s29, $0x2;
	s29 =	simm.s32 @!p3 $0x3C00;
	_ =	swait.ge @!p6 [sflag:s9], $0x4000  }
.Ltmp7:
0xb7: {  	s10 =	sadd.s32 @!p3 $0x1600, s10;
	[sflag:s9] =	ssyncset.done @!p6 $0x0;
	(pc) =	sbr.rel @p4 .LBB2_11-.Ltmp7, $4  }
0xb8: {  	s24 =	simm.s32 @!p5 $0x1;
	s23 =	smov.u32 s7;
	[sflag:s9] =	ssyncadd.s32 @!p6 $0xFFFFC000  }
0xb9: {  	[tilespmem:s29], [sflag:$0x1] =	stream.indirect.gather @!p3 [hbm4b:s1+s31], $0x80, s10, s31, $0xb8;
	[tilespmem:$0x1F480] =	vst v63  }
0xba: {  	s29 =	smov.u32 s8;
	s31 =	smov.u32 s26;
	_ =	swait.ge @!p5 [sflag:s24], $0x4000  }
0xbb: {  	s26 =	sadd.s32 $0x2, s26;
	[sflag:s24] =	ssyncset.done @!p5 $0x0  }
0xbc: {  	p3 =	sgt.u32 s23, s6;
	[sflag:s24] =	ssyncadd.s32 @!p5 $0xFFFFC000  }
0xbd: {  	[spmem:s3] =	stream.indirect.scatter.add.f32 @!p5 [tilespmem:s0], [sflag:$0x2], $0x80, s25, s30, $0xb8;
	[tilespmem:$0x1F480] =	vst v63  }
0xbe: {  	s30 =	sadd.s32 $0xFFFFFFFF, s31;
	s2 =	simm.s32 @!p3 $0x2  }
0xbf: {  	p5 =	sge.u32 s23, s6;
	_ =	swait.ge @!p3 [sflag:s2], $0x4000;
	p4 =	sge.u32 s30, s6  }
0xc0: {  	[sflag:s2] =	ssyncset.done @!p3 $0x0;
	s0 =	sshra.s32 @!p4 s29, $0x2;
	s7 =	simm.s32 @!p4 $0x80  }
0xc1: {  	s8 =	simm.s32 @!p4 $0x7C00;
	[sflag:s2] =	ssyncadd.s32 @!p3 $0xFFFFC000;
	s2 =	sadd.s32 @!p4 $0x1580, s0  }
0xc2: {  	[tilespmem:s8], [sflag:$0x1] =	stream.indirect.gather @!p4 [hbm4b:s1+s7], $0x80, s2, s7, $0xb8;
	[tilespmem:$0x1F480] =	vst v63  }
0xc3: {  	s2 =	simm.s32 @!p5 $0x1  }
0xc4: {  	s9 =	sshra.s32 @!p5 s29, $0x2;
	s10 =	simm.s32 @!p5 $0x80;
	_ =	swait.ge @!p5 [sflag:s2], $0x4000  }
0xc5: {  	s23 =	simm.s32 @!p5 $0x3C00;
	s9 =	sadd.s32 @!p5 $0x2900, s9;
	[sflag:s2] =	ssyncset.done @!p5 $0x0  }
0xc6: {  	p3 =	sge.u32 s31, s6;
	[sflag:s2] =	ssyncadd.s32 @!p5 $0xFFFFC000;
	s2 =	simm.s32 @!p5 $0x2  }
0xc7: {  	[spmem:s3] =	stream.indirect.scatter.add.f32 @!p5 [tilespmem:s23], [sflag:$0x2], $0x80, s9, s10, $0xb8;
	[tilespmem:$0x1F480] =	vst v63  }
0xc8: {  	s9 =	sshra.s32 @!p3 s29, $0x2;
	_ =	swait.ge @!p5 [sflag:s2], $0x4000  }
0xc9: {  	s10 =	simm.s32 @!p3 $0x3C00;
	s23 =	simm.s32 @!p3 $0x80;
	[sflag:s2] =	ssyncset.done @!p5 $0x0  }
0xca: {  	s9 =	sadd.s32 @!p3 $0x1600, s9;
	[sflag:s2] =	ssyncadd.s32 @!p5 $0xFFFFC000;
	s2 =	simm.s32 @!p4 $0x1  }
0xcb: {  	[tilespmem:s10], [sflag:$0x1] =	stream.indirect.gather @!p3 [hbm4b:s1+s23], $0x80, s9, s23, $0xb8;
	[tilespmem:$0x1F480] =	vst v63  }
0xcc: {  	_ =	swait.ge @!p4 [sflag:s2], $0x4000  }
0xcd: {  	[sflag:s2] =	ssyncset.done @!p4 $0x0  }
0xce: {  	s0 =	sadd.s32 @!p4 $0x2980, s0;
	[sflag:s2] =	ssyncadd.s32 @!p4 $0xFFFFC000  }
0xcf: {  	[spmem:s3] =	stream.indirect.scatter.add.f32 @!p4 [tilespmem:s8], [sflag:$0x2], $0x80, s0, s7, $0xb8;
	[tilespmem:$0x1F480] =	vst v63  }
0xd0: {  	s0 =	simm.s32 @p0 $0x1FC3;
	[bflag:$0x0] =	sbarrier.arrive $0xFFFF  }
0xd1: {  	[hbm:s11], [sflag:s0] =	dma.local @p0 [spmem:s13], $0x2800  }
0xd2: {  	s0 =	simm.s32 @p0 $0x3  }
0xd3: {  	_ =	swait.ge @p0 [sflag:s0], $0x2800  }
0xd4: {  	s28 =	sadd.s32 $0x1, s28;
	[sflag:s0] =	ssyncset.done @p0 $0x0  }
0xd5: {  	p3 =	sne.s32 s28, s12;
	[sflag:s0] =	ssyncadd.s32 @p0 $0xFFFFD800;
	s0 =	rddreg [dreg:$0x8]  }
0xd6: {  	[hbm:s0], [sflag:s14] =	dma.local @!p0 [spmem:s15], $0x2700  }
.Ltmp8:
0xd7: {  	_ = 	snop;
	(pc) =	sbr.rel @p3 .LBB2_1-.Ltmp8, $4  }
0xd8: {  	s0 =	simm.s32 @!p0 $0x3  }
0xd9: {  	_ =	swait.ge @!p0 [sflag:s0], $0x2700  }
0xda: {  	[sflag:s0] =	ssyncset.done @!p0 $0x0  }
0xdb: {  	[sflag:s0] =	ssyncadd.s32 @!p0 $0xFFFFD900  }
0xdc: {  	_ =	sfence.sel $0x180000  }
0xdd: {  	[bflag:$0x0] =	sbarrier.arrive $0xFFFF  }
0xde: {  	_ =	strace $0x90000047  }
0xdf: {  	s0 =	stileid.u32;
	[bflag:$0x2] =	sbarrier.arrive $0xFFFF  }
0xe0: {  	p0 =	sne.s32 s0, $0x0;
	s0 =	rddreg [dreg:$0x4]  }
0xe1: {  	s0 =	sadd.s32 @!p0 $0x100000, s0  }
0xe2: {  	[sflag:s0] =	ssyncadd.tile.s32 @!p0 $0x1;
	_ =	shalt  }
.Lfunc_end2:
_tile_overlayer_lowered:
.L_overlay_start_2:
0xe3: {  	(tag) =	ssettag $0x2  }
0xe4: {  	s0 =	rddreg [dreg:$0x0];
	s2 =	stileid.u32  }
0xe5: {  	s1 =	rddreg [dreg:$0x1];
	p0 =	sne.s32 s2, $0x0  }
0xe6: {  	s3 =	rddreg [dreg:$0x2];
	[bflag:$0x3] =	sbarrier.arrive $0xFFFF;
	s2 =	simm.s32 @!p0 $0x1C03  }
0xe7: {  	[timem:s3], [sflag:s2] =	dma.local @!p0 [hbm:s0], s1  }
0xe8: {  	s0 =	simm.s32 @!p0 $0x3  }
0xe9: {  	_ =	swait.ge @!p0 [sflag:s0], s1  }
0xea: {  	s1 =	ssub.s32 @!p0 $0x0, s1;
	[sflag:s0] =	ssyncset.done @!p0 $0x0  }
0xeb: {  	[sflag:s0] =	ssyncadd.s32 @!p0 s1  }
0xec: {  	[bflag:$0x3] =	sbarrier.arrive $0xFFFF  }
0xed: {  	_ =	shalt  }

</sc_bundles>
